<compile_context>
chip_gen: v7x
topology: tpu7x:2x2x1
jax: 0.10.2.dev20260603
libtpu: 0.0.44.dev20260713+nightly
codegen_flags: <defaults>
</compile_context>

<pallas_src>
import functools

import jax
import jax.numpy as jnp
from jax import lax
from jax.experimental import pallas as pl
from jax.experimental.pallas import tpu as pltpu
from jax.experimental.pallas import tpu_sc as plsc

_BATCH = 16384
_DIM = 32
_PACK = 4
_PDIM = _DIM * _PACK
_NW = 32
_B_PER_W = _BATCH // _NW
_CHUNK = 128
_NCHUNK = _B_PER_W // _CHUNK
_LP = 8192
_GP = 31
_Q = _LP * _GP


def _eye(n):
    r = jax.lax.broadcasted_iota(jnp.int32, (n, n), 0)
    c = jax.lax.broadcasted_iota(jnp.int32, (n, n), 1)
    return (r == c).astype(jnp.float32)


def _transpose_pack(refs):
    r = jax.lax.broadcasted_iota(jnp.int32, (_DIM, _PDIM), 0)
    c = jax.lax.broadcasted_iota(jnp.int32, (_DIM, _PDIM), 1)
    acc = None
    for a, ref in enumerate(refs):
        sel = (r == c - _DIM * a).astype(jnp.float32)
        x = jnp.nan_to_num(ref[...], nan=0.0, posinf=0.0, neginf=0.0)
        y = jax.lax.dot_general(x, sel, (((0,), (0,)), ((), ())),
                                preferred_element_type=jnp.float32)
        acc = y if acc is None else acc + y
    return acc


def _bf16_hi_bits(x):
    return jax.lax.bitcast_convert_type(
        x.astype(jnp.bfloat16), jnp.uint16).astype(jnp.uint32)


def _pack_body(w0, w1, w2, w3, r0, r1, r2, r3, out_ref):
    wu = _transpose_pack((w0, w1, w2, w3))
    rv = _transpose_pack((r0, r1, r2, r3))
    word = (_bf16_hi_bits(wu) << 16) | _bf16_hi_bits(rv)
    out_ref[...] = jax.lax.bitcast_convert_type(word, jnp.float32)


def _tc_pack(wuT, rvhT):
    max_blk = (wuT.shape[1] - 1) // _LP
    specs = [
        pl.BlockSpec(
            (_DIM, _LP),
            (lambda a: (lambda i, a=a: (0, jnp.minimum(a * _GP + i,
                                                       max_blk))))(a))
        for a in range(_PACK)
    ] * 2
    return pl.pallas_call(
        _pack_body,
        grid=(_GP,),
        in_specs=specs,
        out_specs=pl.BlockSpec((_LP, _PDIM), lambda i: (i, 0)),
        out_shape=jax.ShapeDtypeStruct((_Q, _PDIM), jnp.float32),
    )(wuT, wuT, wuT, wuT, rvhT, rvhT, rvhT, rvhT)


def _sc_gather(idx2d, packed):
    mesh = plsc.VectorSubcoreMesh(core_axis_name="c", subcore_axis_name="s")

    @functools.partial(
        pl.kernel,
        out_type=jax.ShapeDtypeStruct((_BATCH, _PDIM), jnp.float32),
        mesh=mesh,
        scratch_types=[
            pltpu.VMEM((_NCHUNK, _CHUNK), jnp.int32),
            pltpu.VMEM((_B_PER_W, _PDIM), jnp.float32),
            pltpu.SemaphoreType.DMA,
        ],
    )
    def gather_kernel(idx_hbm, tbl_hbm, rows_out, idx_v, rows_v, sem):
        wid = lax.axis_index("s") * 2 + lax.axis_index("c")
        base = wid * _B_PER_W
        pltpu.sync_copy(idx_hbm.at[pl.ds(wid * _NCHUNK, _NCHUNK)], idx_v)
        copies = []
        for j in range(_NCHUNK):
            copies.append(pltpu.async_copy(
                tbl_hbm.at[idx_v.at[j]],
                rows_v.at[pl.ds(j * _CHUNK, _CHUNK)], sem))
        for c in copies:
            c.wait()
        pltpu.sync_copy(rows_v, rows_out.at[pl.ds(base, _B_PER_W)])

    return gather_kernel(idx2d, packed)


def _artanh(x):
    return 0.5 * jnp.log((1.0 + x) / (1.0 - x))


def _colnorm(x):
    return jnp.sqrt(jnp.sum(x * x, axis=0, keepdims=True))


def _proj_cols(e):
    n = _colnorm(e)
    return jnp.where(n >= 1.0, e / (n - 1e-05), e)


def _p_sum_cols(x, y):
    sqxnorm = jnp.sum(x * x, axis=0, keepdims=True)
    sqynorm = jnp.sum(y * y, axis=0, keepdims=True)
    dotxy = jnp.sum(x * y, axis=0, keepdims=True)
    numerator = (1.0 + 2.0 * dotxy + sqynorm) * x + (1.0 - sqxnorm) * y
    denominator = 1.0 + 2.0 * dotxy + sqxnorm * sqynorm
    return numerator / denominator


def _select_subrow(packed, sub):
    out = jnp.zeros((packed.shape[0], _DIM), packed.dtype)
    for k in range(_PACK):
        out = jnp.where(sub == k, packed[:, k * _DIM:(k + 1) * _DIM], out)
    return out


def _math_body(uT_ref, vT_ref, rows_ref, sub_ref, out_ref):
    sub = sub_ref[...]
    eye = _eye(_DIM)
    word = jax.lax.bitcast_convert_type(rows_ref[...], jnp.uint32)
    wu_f = jax.lax.bitcast_convert_type(
        word & jnp.uint32(0xFFFF0000), jnp.float32)
    rv_f = jax.lax.bitcast_convert_type(word << 16, jnp.float32)
    Ru_r = _select_subrow(wu_f, sub)
    rv_r = _select_subrow(rv_f, sub)
    Ru = jax.lax.dot_general(eye, Ru_r, (((0,), (1,)), ((), ())),
                             preferred_element_type=jnp.float32)
    rv_raw = jax.lax.dot_general(eye, rv_r, (((0,), (1,)), ((), ())),
                                 preferred_element_type=jnp.float32)
    u = _proj_cols(uT_ref[...])
    v = _proj_cols(vT_ref[...])
    rv = _proj_cols(rv_raw)
    un = jnp.clip(_colnorm(u), 1e-10, 1.0 - 1e-05)
    u_e = _artanh(un) / un * u
    u_W = u_e * Ru
    wn = jnp.maximum(_colnorm(u_W), 1e-10)
    u_m = jnp.tanh(wn) / wn * u_W
    v_m = _p_sum_cols(v, rv)
    u_m = _proj_cols(u_m)
    v_m = _proj_cols(v_m)
    diff = _p_sum_cols(-u_m, v_m)
    diff_norm = jnp.clip(_colnorm(diff), 1e-10, 1.0 - 1e-05)
    sqdist = (2.0 * _artanh(diff_norm)) ** 2
    out_ref[...] = -sqdist


def _tc_math(uT, vT, rows, sub, block_rows=2048):
    grid = _BATCH // block_rows
    t_spec = pl.BlockSpec((_DIM, block_rows), lambda i: (0, i))
    packed_spec = pl.BlockSpec((block_rows, _PDIM), lambda i: (i, 0))
    sub_spec = pl.BlockSpec((block_rows, 1), lambda i: (i, 0))
    return pl.pallas_call(
        _math_body,
        grid=(grid,),
        in_specs=[t_spec, t_spec, packed_spec, sub_spec],
        out_specs=pl.BlockSpec((1, block_rows), lambda i: (0, i)),
        out_shape=jax.ShapeDtypeStruct((1, _BATCH), jnp.float32),
    )(uT, vT, rows, sub)


def kernel(u_emb, r_idx, v_emb, Wu, rvh):
    packed = _tc_pack(Wu.T, rvh.T)
    idx2d = (r_idx % _Q).reshape(_NW * _NCHUNK, _CHUNK)
    sub = (r_idx // _Q).reshape(_BATCH, 1)
    rows = _sc_gather(idx2d, packed)
    score = _tc_math(u_emb.T, v_emb.T, rows, sub)
    return score.reshape(_BATCH)

# --- scband reference (transcript-rebuilt; emitter-appended) ---
"""Pipeline reference for scband-mu-rpscorer-65558380806437 (READ-ONLY COPY).

The authoritative reference and input builder live on the scoring server;
editing this copy changes nothing except your own understanding.
"""

import jax, jax.numpy as jnp
import numpy as np

NUM_RELATIONS = 1000000
DIM = 32
BATCH = 16384

def artanh(x):
    return 0.5 * jnp.log((1.0 + x) / (1.0 - x))

def _proj(e):
    n = jnp.linalg.norm(e, ord=2, axis=-1, keepdims=True)
    return jnp.where(n >= 1.0, e / (n - 1e-05), e)

def p_log_map(v):
    normv = jnp.clip(jnp.linalg.norm(v, ord=2, axis=-1, keepdims=True), 1e-10, 1.0 - 1e-05)
    return artanh(normv) / normv * v

def p_exp_map(v):
    normv = jnp.clip(jnp.linalg.norm(v, ord=2, axis=-1, keepdims=True), 1e-10, None)
    return jnp.tanh(normv) / normv * v

def p_sum(x, y):
    sqxnorm = jnp.sum(x * x, axis=-1, keepdims=True)
    sqynorm = jnp.sum(y * y, axis=-1, keepdims=True)
    dotxy = jnp.sum(x * y, axis=-1, keepdims=True)
    numerator = (1.0 + 2.0 * dotxy + sqynorm) * x + (1.0 - sqxnorm) * y
    denominator = 1.0 + 2.0 * dotxy + sqxnorm * sqynorm
    return numerator / denominator


def setup_inputs(seed: int = 0) -> dict:
    key = jax.random.key(seed)
    k1, k2, k3, k4, k5 = jax.random.split(key, 5)
    u_emb = jax.random.normal(k1, (BATCH, DIM), dtype=jnp.float32)
    v_emb = jax.random.normal(k2, (BATCH, DIM), dtype=jnp.float32)
    r_idx = jax.random.randint(k3, (BATCH,), 0, NUM_RELATIONS, dtype=jnp.int32)
    Wu = jax.random.uniform(k4, (NUM_RELATIONS, DIM), dtype=jnp.float32, minval=-1.0, maxval=1.0)
    rvh = jax.random.normal(k5, (NUM_RELATIONS, DIM), dtype=jnp.float32) * 0.01
    return {"u_emb": u_emb, "r_idx": r_idx, "v_emb": v_emb, "Wu": Wu, "rvh": rvh}


def reference(u_emb, r_idx, v_emb, Wu, rvh):
    # project entity embeddings into the Poincare ball
    u = _proj(u_emb)
    v = _proj(v_emb)
    # SparseCore-style gathers from large relation tables
    Ru = jnp.take(Wu, r_idx, axis=0)
    rv = jnp.take(rvh, r_idx, axis=0)
    rv = _proj(rv)
    # MuRP score: diagonal relation matrix in tangent space + Mobius translation
    u_e = p_log_map(u)
    u_W = u_e * Ru
    u_m = p_exp_map(u_W)
    v_m = p_sum(v, rv)
    u_m = _proj(u_m)
    v_m = _proj(v_m)
    diff = p_sum(-u_m, v_m)
    diff_norm = jnp.clip(jnp.linalg.norm(diff, ord=2, axis=-1), 1e-10, 1.0 - 1e-05)
    sqdist = (2.0 * artanh(diff_norm)) ** 2
    score = -sqdist
    return score

if __name__ == "__main__":
    import jax
    _d = setup_inputs()
    print(jax.jit(kernel)(*tuple(_d.values())))

</pallas_src>

<mosaic_0001>
#map = affine_map<(d0, d1) -> (0, 0)>
module attributes {stable_mosaic.version = 14 : i64} {
  func.func @gather_kernel(%arg0: i32, %arg1: i32, %arg2: memref<128x128xi32, #tpu.memory_space<hbm>>, %arg3: memref<253952x128xf32, #tpu.memory_space<hbm>>, %arg4: memref<16384x128xf32, #tpu.memory_space<hbm>>, %arg5: memref<4x128xi32, #tpu.memory_space<vmem>>, %arg6: memref<512x128xf32, #tpu.memory_space<vmem>>, %arg7: memref<!tpu.dma_semaphore, #tpu.memory_space<semaphore_mem>>) attributes {dimension_semantics = [#tpu.dimension_semantics<core_parallel>, #tpu.dimension_semantics<subcore_parallel>], iteration_bounds = array<i64: 2, 16>, scalar_prefetch = 0 : i64, scratch_operands = 3 : i64, tpu.core_type = #tpu.core_type<sc_vector_subcore>, window_params = [{transform_indices = #map}, {transform_indices = #map}, {transform_indices = #map}]} {
    %mul3A = arith.constant 2 : i32
    %mul3A_0 = arith.muli %arg1, %mul3A : i32
    %add3A = arith.addi %mul3A_0, %arg0 : i32
    %mul3A_1 = arith.constant 512 : i32
    %mul3A_2 = arith.muli %add3A, %mul3A_1 : i32
    %mul3A_3 = arith.constant 4 : i32
    %mul3A_4 = arith.muli %add3A, %mul3A_3 : i32
    "tpu.region"() ({
      %run_scoped3A = tpu.sem_alloc : memref<!tpu.dma_semaphore, #tpu.memory_space<semaphore_mem>>
      %dma_start3A_83 = arith.constant 0 : i32
      %dma_start3A_84 = tpu.memref_slice %arg2[%mul3A_4, %dma_start3A_83] : memref<128x128xi32, #tpu.memory_space<hbm>> -> memref<4x128xi32, #tpu.memory_space<hbm>>
      %dma_start3A_85 = arith.constant 0 : i32
      %dma_start3A_86 = tpu.memref_slice %arg2[%mul3A_4, %dma_start3A_85] : memref<128x128xi32, #tpu.memory_space<hbm>> -> memref<4x128xi32, #tpu.memory_space<hbm>>
      tpu.enqueue_dma source(%dma_start3A_86 : memref<4x128xi32, #tpu.memory_space<hbm>>) target(%arg5 : memref<4x128xi32, #tpu.memory_space<vmem>>) target_semaphore(%run_scoped3A : memref<!tpu.dma_semaphore, #tpu.memory_space<semaphore_mem>>)
      %dma_wait3A_87 = arith.constant 0 : i32
      %dma_wait3A_88 = tpu.memref_slice %arg2[%mul3A_4, %dma_wait3A_87] : memref<128x128xi32, #tpu.memory_space<hbm>> -> memref<4x128xi32, #tpu.memory_space<hbm>>
      %dma_wait3A_89 = arith.constant 0 : i32
      %dma_wait3A_90 = tpu.memref_slice %arg2[%mul3A_4, %dma_wait3A_89] : memref<128x128xi32, #tpu.memory_space<hbm>> -> memref<4x128xi32, #tpu.memory_space<hbm>>
      tpu.wait_dma2 semaphore(%run_scoped3A : memref<!tpu.dma_semaphore, #tpu.memory_space<semaphore_mem>>) src(%dma_wait3A_90 : memref<4x128xi32, #tpu.memory_space<hbm>>) dst(%arg5 : memref<4x128xi32, #tpu.memory_space<vmem>>)
      tpu.yield
    }) : () -> ()
    %dma_start3A = arith.constant 0 : i32
    %dma_start3A_5 = arith.constant 0 : i32
    %dma_start3A_6 = arith.constant 0 : i32
    %dma_start3A_7 = tpu.memref_slice %arg6[%dma_start3A_5, %dma_start3A_6] : memref<512x128xf32, #tpu.memory_space<vmem>> -> memref<128x128xf32, #tpu.memory_space<vmem>>
    %dma_start3A_8 = arith.constant 0 : i32
    %dma_start3A_9 = tpu.memref_slice %arg5[%dma_start3A, %dma_start3A_8] : memref<4x128xi32, #tpu.memory_space<vmem>> -> memref<1x128xi32, #tpu.memory_space<vmem>>
    %dma_start3A_10 = tpu.memref_squeeze %dma_start3A_9 : memref<1x128xi32, #tpu.memory_space<vmem>> -> memref<128xi32, #tpu.memory_space<vmem>>
    %dma_start3A_11 = arith.constant 0 : i32
    %dma_start3A_12 = arith.constant 0 : i32
    %dma_start3A_13 = tpu.memref_slice %arg3[%dma_start3A_11, %dma_start3A_12] : memref<253952x128xf32, #tpu.memory_space<hbm>> -> memref<253952x128xf32, #tpu.memory_space<hbm>>
    tpu.enqueue_indirect_dma source(%dma_start3A_13 : memref<253952x128xf32, #tpu.memory_space<hbm>>) target(%dma_start3A_7 : memref<128x128xf32, #tpu.memory_space<vmem>>) offsets(%dma_start3A_10 : memref<128xi32, #tpu.memory_space<vmem>>) semaphore(%arg7 : memref<!tpu.dma_semaphore, #tpu.memory_space<semaphore_mem>>)
    %dma_start3A_14 = arith.constant 1 : i32
    %dma_start3A_15 = arith.constant 128 : i32
    %dma_start3A_16 = arith.constant 0 : i32
    %dma_start3A_17 = tpu.memref_slice %arg6[%dma_start3A_15, %dma_start3A_16] : memref<512x128xf32, #tpu.memory_space<vmem>> -> memref<128x128xf32, #tpu.memory_space<vmem>>
    %dma_start3A_18 = arith.constant 0 : i32
    %dma_start3A_19 = tpu.memref_slice %arg5[%dma_start3A_14, %dma_start3A_18] : memref<4x128xi32, #tpu.memory_space<vmem>> -> memref<1x128xi32, #tpu.memory_space<vmem>>
    %dma_start3A_20 = tpu.memref_squeeze %dma_start3A_19 : memref<1x128xi32, #tpu.memory_space<vmem>> -> memref<128xi32, #tpu.memory_space<vmem>>
    %dma_start3A_21 = arith.constant 0 : i32
    %dma_start3A_22 = arith.constant 0 : i32
    %dma_start3A_23 = tpu.memref_slice %arg3[%dma_start3A_21, %dma_start3A_22] : memref<253952x128xf32, #tpu.memory_space<hbm>> -> memref<253952x128xf32, #tpu.memory_space<hbm>>
    tpu.enqueue_indirect_dma source(%dma_start3A_23 : memref<253952x128xf32, #tpu.memory_space<hbm>>) target(%dma_start3A_17 : memref<128x128xf32, #tpu.memory_space<vmem>>) offsets(%dma_start3A_20 : memref<128xi32, #tpu.memory_space<vmem>>) semaphore(%arg7 : memref<!tpu.dma_semaphore, #tpu.memory_space<semaphore_mem>>)
    %dma_start3A_24 = arith.constant 2 : i32
    %dma_start3A_25 = arith.constant 256 : i32
    %dma_start3A_26 = arith.constant 0 : i32
    %dma_start3A_27 = tpu.memref_slice %arg6[%dma_start3A_25, %dma_start3A_26] : memref<512x128xf32, #tpu.memory_space<vmem>> -> memref<128x128xf32, #tpu.memory_space<vmem>>
    %dma_start3A_28 = arith.constant 0 : i32
    %dma_start3A_29 = tpu.memref_slice %arg5[%dma_start3A_24, %dma_start3A_28] : memref<4x128xi32, #tpu.memory_space<vmem>> -> memref<1x128xi32, #tpu.memory_space<vmem>>
    %dma_start3A_30 = tpu.memref_squeeze %dma_start3A_29 : memref<1x128xi32, #tpu.memory_space<vmem>> -> memref<128xi32, #tpu.memory_space<vmem>>
    %dma_start3A_31 = arith.constant 0 : i32
    %dma_start3A_32 = arith.constant 0 : i32
    %dma_start3A_33 = tpu.memref_slice %arg3[%dma_start3A_31, %dma_start3A_32] : memref<253952x128xf32, #tpu.memory_space<hbm>> -> memref<253952x128xf32, #tpu.memory_space<hbm>>
    tpu.enqueue_indirect_dma source(%dma_start3A_33 : memref<253952x128xf32, #tpu.memory_space<hbm>>) target(%dma_start3A_27 : memref<128x128xf32, #tpu.memory_space<vmem>>) offsets(%dma_start3A_30 : memref<128xi32, #tpu.memory_space<vmem>>) semaphore(%arg7 : memref<!tpu.dma_semaphore, #tpu.memory_space<semaphore_mem>>)
    %dma_start3A_34 = arith.constant 3 : i32
    %dma_start3A_35 = arith.constant 384 : i32
    %dma_start3A_36 = arith.constant 0 : i32
    %dma_start3A_37 = tpu.memref_slice %arg6[%dma_start3A_35, %dma_start3A_36] : memref<512x128xf32, #tpu.memory_space<vmem>> -> memref<128x128xf32, #tpu.memory_space<vmem>>
    %dma_start3A_38 = arith.constant 0 : i32
    %dma_start3A_39 = tpu.memref_slice %arg5[%dma_start3A_34, %dma_start3A_38] : memref<4x128xi32, #tpu.memory_space<vmem>> -> memref<1x128xi32, #tpu.memory_space<vmem>>
    %dma_start3A_40 = tpu.memref_squeeze %dma_start3A_39 : memref<1x128xi32, #tpu.memory_space<vmem>> -> memref<128xi32, #tpu.memory_space<vmem>>
    %dma_start3A_41 = arith.constant 0 : i32
    %dma_start3A_42 = arith.constant 0 : i32
    %dma_start3A_43 = tpu.memref_slice %arg3[%dma_start3A_41, %dma_start3A_42] : memref<253952x128xf32, #tpu.memory_space<hbm>> -> memref<253952x128xf32, #tpu.memory_space<hbm>>
    tpu.enqueue_indirect_dma source(%dma_start3A_43 : memref<253952x128xf32, #tpu.memory_space<hbm>>) target(%dma_start3A_37 : memref<128x128xf32, #tpu.memory_space<vmem>>) offsets(%dma_start3A_40 : memref<128xi32, #tpu.memory_space<vmem>>) semaphore(%arg7 : memref<!tpu.dma_semaphore, #tpu.memory_space<semaphore_mem>>)
    %dma_wait3A = arith.constant 0 : i32
    %dma_wait3A_44 = arith.constant 0 : i32
    %dma_wait3A_45 = arith.constant 0 : i32
    %dma_wait3A_46 = tpu.memref_slice %arg6[%dma_wait3A_44, %dma_wait3A_45] : memref<512x128xf32, #tpu.memory_space<vmem>> -> memref<128x128xf32, #tpu.memory_space<vmem>>
    %dma_wait3A_47 = arith.constant 0 : i32
    %dma_wait3A_48 = tpu.memref_slice %arg5[%dma_wait3A, %dma_wait3A_47] : memref<4x128xi32, #tpu.memory_space<vmem>> -> memref<1x128xi32, #tpu.memory_space<vmem>>
    %dma_wait3A_49 = tpu.memref_squeeze %dma_wait3A_48 : memref<1x128xi32, #tpu.memory_space<vmem>> -> memref<128xi32, #tpu.memory_space<vmem>>
    %dma_wait3A_50 = arith.constant 0 : i32
    %dma_wait3A_51 = arith.constant 0 : i32
    %dma_wait3A_52 = tpu.memref_slice %arg3[%dma_wait3A_50, %dma_wait3A_51] : memref<253952x128xf32, #tpu.memory_space<hbm>> -> memref<253952x128xf32, #tpu.memory_space<hbm>>
    tpu.wait_indirect_dma semaphore(%arg7 : memref<!tpu.dma_semaphore, #tpu.memory_space<semaphore_mem>>) src(%dma_wait3A_52 : memref<253952x128xf32, #tpu.memory_space<hbm>>) dst(%dma_wait3A_46 : memref<128x128xf32, #tpu.memory_space<vmem>>)
    %dma_wait3A_53 = arith.constant 1 : i32
    %dma_wait3A_54 = arith.constant 128 : i32
    %dma_wait3A_55 = arith.constant 0 : i32
    %dma_wait3A_56 = tpu.memref_slice %arg6[%dma_wait3A_54, %dma_wait3A_55] : memref<512x128xf32, #tpu.memory_space<vmem>> -> memref<128x128xf32, #tpu.memory_space<vmem>>
    %dma_wait3A_57 = arith.constant 0 : i32
    %dma_wait3A_58 = tpu.memref_slice %arg5[%dma_wait3A_53, %dma_wait3A_57] : memref<4x128xi32, #tpu.memory_space<vmem>> -> memref<1x128xi32, #tpu.memory_space<vmem>>
    %dma_wait3A_59 = tpu.memref_squeeze %dma_wait3A_58 : memref<1x128xi32, #tpu.memory_space<vmem>> -> memref<128xi32, #tpu.memory_space<vmem>>
    %dma_wait3A_60 = arith.constant 0 : i32
    %dma_wait3A_61 = arith.constant 0 : i32
    %dma_wait3A_62 = tpu.memref_slice %arg3[%dma_wait3A_60, %dma_wait3A_61] : memref<253952x128xf32, #tpu.memory_space<hbm>> -> memref<253952x128xf32, #tpu.memory_space<hbm>>
    tpu.wait_indirect_dma semaphore(%arg7 : memref<!tpu.dma_semaphore, #tpu.memory_space<semaphore_mem>>) src(%dma_wait3A_62 : memref<253952x128xf32, #tpu.memory_space<hbm>>) dst(%dma_wait3A_56 : memref<128x128xf32, #tpu.memory_space<vmem>>)
    %dma_wait3A_63 = arith.constant 2 : i32
    %dma_wait3A_64 = arith.constant 256 : i32
    %dma_wait3A_65 = arith.constant 0 : i32
    %dma_wait3A_66 = tpu.memref_slice %arg6[%dma_wait3A_64, %dma_wait3A_65] : memref<512x128xf32, #tpu.memory_space<vmem>> -> memref<128x128xf32, #tpu.memory_space<vmem>>
    %dma_wait3A_67 = arith.constant 0 : i32
    %dma_wait3A_68 = tpu.memref_slice %arg5[%dma_wait3A_63, %dma_wait3A_67] : memref<4x128xi32, #tpu.memory_space<vmem>> -> memref<1x128xi32, #tpu.memory_space<vmem>>
    %dma_wait3A_69 = tpu.memref_squeeze %dma_wait3A_68 : memref<1x128xi32, #tpu.memory_space<vmem>> -> memref<128xi32, #tpu.memory_space<vmem>>
    %dma_wait3A_70 = arith.constant 0 : i32
    %dma_wait3A_71 = arith.constant 0 : i32
    %dma_wait3A_72 = tpu.memref_slice %arg3[%dma_wait3A_70, %dma_wait3A_71] : memref<253952x128xf32, #tpu.memory_space<hbm>> -> memref<253952x128xf32, #tpu.memory_space<hbm>>
    tpu.wait_indirect_dma semaphore(%arg7 : memref<!tpu.dma_semaphore, #tpu.memory_space<semaphore_mem>>) src(%dma_wait3A_72 : memref<253952x128xf32, #tpu.memory_space<hbm>>) dst(%dma_wait3A_66 : memref<128x128xf32, #tpu.memory_space<vmem>>)
    %dma_wait3A_73 = arith.constant 3 : i32
    %dma_wait3A_74 = arith.constant 384 : i32
    %dma_wait3A_75 = arith.constant 0 : i32
    %dma_wait3A_76 = tpu.memref_slice %arg6[%dma_wait3A_74, %dma_wait3A_75] : memref<512x128xf32, #tpu.memory_space<vmem>> -> memref<128x128xf32, #tpu.memory_space<vmem>>
    %dma_wait3A_77 = arith.constant 0 : i32
    %dma_wait3A_78 = tpu.memref_slice %arg5[%dma_wait3A_73, %dma_wait3A_77] : memref<4x128xi32, #tpu.memory_space<vmem>> -> memref<1x128xi32, #tpu.memory_space<vmem>>
    %dma_wait3A_79 = tpu.memref_squeeze %dma_wait3A_78 : memref<1x128xi32, #tpu.memory_space<vmem>> -> memref<128xi32, #tpu.memory_space<vmem>>
    %dma_wait3A_80 = arith.constant 0 : i32
    %dma_wait3A_81 = arith.constant 0 : i32
    %dma_wait3A_82 = tpu.memref_slice %arg3[%dma_wait3A_80, %dma_wait3A_81] : memref<253952x128xf32, #tpu.memory_space<hbm>> -> memref<253952x128xf32, #tpu.memory_space<hbm>>
    tpu.wait_indirect_dma semaphore(%arg7 : memref<!tpu.dma_semaphore, #tpu.memory_space<semaphore_mem>>) src(%dma_wait3A_82 : memref<253952x128xf32, #tpu.memory_space<hbm>>) dst(%dma_wait3A_76 : memref<128x128xf32, #tpu.memory_space<vmem>>)
    "tpu.region"() ({
      %run_scoped3A = tpu.sem_alloc : memref<!tpu.dma_semaphore, #tpu.memory_space<semaphore_mem>>
      %dma_start3A_83 = arith.constant 0 : i32
      %dma_start3A_84 = tpu.memref_slice %arg4[%mul3A_2, %dma_start3A_83] : memref<16384x128xf32, #tpu.memory_space<hbm>> -> memref<512x128xf32, #tpu.memory_space<hbm>>
      %dma_start3A_85 = arith.constant 0 : i32
      %dma_start3A_86 = tpu.memref_slice %arg4[%mul3A_2, %dma_start3A_85] : memref<16384x128xf32, #tpu.memory_space<hbm>> -> memref<512x128xf32, #tpu.memory_space<hbm>>
      tpu.enqueue_dma source(%arg6 : memref<512x128xf32, #tpu.memory_space<vmem>>) target(%dma_start3A_86 : memref<512x128xf32, #tpu.memory_space<hbm>>) target_semaphore(%run_scoped3A : memref<!tpu.dma_semaphore, #tpu.memory_space<semaphore_mem>>)
      %dma_wait3A_87 = arith.constant 0 : i32
      %dma_wait3A_88 = tpu.memref_slice %arg4[%mul3A_2, %dma_wait3A_87] : memref<16384x128xf32, #tpu.memory_space<hbm>> -> memref<512x128xf32, #tpu.memory_space<hbm>>
      %dma_wait3A_89 = arith.constant 0 : i32
      %dma_wait3A_90 = tpu.memref_slice %arg4[%mul3A_2, %dma_wait3A_89] : memref<16384x128xf32, #tpu.memory_space<hbm>> -> memref<512x128xf32, #tpu.memory_space<hbm>>
      tpu.wait_dma2 semaphore(%run_scoped3A : memref<!tpu.dma_semaphore, #tpu.memory_space<semaphore_mem>>) src(%arg6 : memref<512x128xf32, #tpu.memory_space<vmem>>) dst(%dma_wait3A_90 : memref<512x128xf32, #tpu.memory_space<hbm>>)
      tpu.yield
    }) : () -> ()
    return
  }
}

module attributes {stable_mosaic.version = 14 : i64} {
  func.func @_pack_body(%arg0: i32, %arg1: memref<32x8192xf32, #tpu.memory_space<vmem>>, %arg2: memref<32x8192xf32, #tpu.memory_space<vmem>>, %arg3: memref<32x8192xf32, #tpu.memory_space<vmem>>, %arg4: memref<32x8192xf32, #tpu.memory_space<vmem>>, %arg5: memref<32x8192xf32, #tpu.memory_space<vmem>>, %arg6: memref<32x8192xf32, #tpu.memory_space<vmem>>, %arg7: memref<32x8192xf32, #tpu.memory_space<vmem>>, %arg8: memref<32x8192xf32, #tpu.memory_space<vmem>>, %arg9: memref<8192x128xf32, #tpu.memory_space<vmem>>) attributes {dimension_semantics = [#tpu.dimension_semantics<arbitrary>], iteration_bounds = array<i64: 31>, scalar_prefetch = 0 : i64, scratch_operands = 0 : i64, tpu.core_type = #tpu.core_type<tc>, window_params = [{transform_indices = @transform_0, window_bounds = array<i64: 32, 8192>}, {transform_indices = @transform_1, window_bounds = array<i64: 32, 8192>}, {transform_indices = @transform_2, window_bounds = array<i64: 32, 8192>}, {transform_indices = @transform_3, window_bounds = array<i64: 32, 8192>}, {transform_indices = @transform_4, window_bounds = array<i64: 32, 8192>}, {transform_indices = @transform_5, window_bounds = array<i64: 32, 8192>}, {transform_indices = @transform_6, window_bounds = array<i64: 32, 8192>}, {transform_indices = @transform_7, window_bounds = array<i64: 32, 8192>}, {transform_indices = @transform_8, window_bounds = array<i64: 8192, 128>}]} {
    %iota3A = tpu.iota {dimensions = array<i32: 0>} : vector<32x128xi32>
    %iota3A_0 = tpu.iota {dimensions = array<i32: 1>} : vector<32x128xi32>
    %sub3A = arith.constant 0 : i32
    %sub3A_1 = vector.broadcast %sub3A : i32 to vector<32x128xi32>
    %sub3A_2 = arith.subi %iota3A_0, %sub3A_1 : vector<32x128xi32>
    %eq3A = arith.cmpi eq, %iota3A, %sub3A_2 : vector<32x128xi32>
    %convert_element_type3A = arith.extui %eq3A : vector<32x128xi1> to vector<32x128xi32>
    %convert_element_type3A_3 = arith.sitofp %convert_element_type3A : vector<32x128xi32> to vector<32x128xf32>
    %get3A = arith.constant 0 : index
    %get3A_4 = arith.constant 0 : index
    %get3A_5 = vector.load %arg1[%get3A, %get3A_4] : memref<32x8192xf32, #tpu.memory_space<vmem>>, vector<32x8192xf32>
    %jit3A = arith.constant 0.000000e+00 : f32
    %jit3A_6 = arith.constant 0.000000e+00 : f32
    %jit3A_7 = arith.constant 0.000000e+00 : f32
    %ne3A = arith.cmpf one, %get3A_5, %get3A_5 : vector<32x8192xf32>
    %broadcast_in_dim3A = vector.broadcast %jit3A : f32 to vector<32x8192xf32>
    %select_n3A = arith.select %ne3A, %broadcast_in_dim3A, %get3A_5 : vector<32x8192xi1>, vector<32x8192xf32>
    %eq3A_8 = arith.constant 0x7F800000 : f32
    %eq3A_9 = vector.broadcast %eq3A_8 : f32 to vector<32x8192xf32>
    %eq3A_10 = arith.cmpf oeq, %select_n3A, %eq3A_9 : vector<32x8192xf32>
    %broadcast_in_dim3A_11 = vector.broadcast %jit3A_7 : f32 to vector<32x8192xf32>
    %select_n3A_12 = arith.select %eq3A_10, %broadcast_in_dim3A_11, %select_n3A : vector<32x8192xi1>, vector<32x8192xf32>
    %eq3A_13 = arith.constant 0xFF800000 : f32
    %eq3A_14 = vector.broadcast %eq3A_13 : f32 to vector<32x8192xf32>
    %eq3A_15 = arith.cmpf oeq, %select_n3A_12, %eq3A_14 : vector<32x8192xf32>
    %broadcast_in_dim3A_16 = vector.broadcast %jit3A_6 : f32 to vector<32x8192xf32>
    %select_n3A_17 = arith.select %eq3A_15, %broadcast_in_dim3A_16, %select_n3A_12 : vector<32x8192xi1>, vector<32x8192xf32>
    %dot_general3A = arith.constant dense<0.000000e+00> : vector<8192x128xf32>
    %dot_general3A_18 = tpu.matmul %select_n3A_17, %convert_element_type3A_3, %dot_general3A {dimension_numbers = #tpu.dot_dimension_numbers<[0], [0], [1], [1], [0, 1, 1, 1], [], []>, transpose_lhs_hint = false} : vector<32x8192xf32>, vector<32x128xf32>, vector<8192x128xf32> -> vector<8192x128xf32>
    %sub3A_19 = arith.constant 32 : i32
    %sub3A_20 = vector.broadcast %sub3A_19 : i32 to vector<32x128xi32>
    %sub3A_21 = arith.subi %iota3A_0, %sub3A_20 : vector<32x128xi32>
    %eq3A_22 = arith.cmpi eq, %iota3A, %sub3A_21 : vector<32x128xi32>
    %convert_element_type3A_23 = arith.extui %eq3A_22 : vector<32x128xi1> to vector<32x128xi32>
    %convert_element_type3A_24 = arith.sitofp %convert_element_type3A_23 : vector<32x128xi32> to vector<32x128xf32>
    %get3A_25 = arith.constant 0 : index
    %get3A_26 = arith.constant 0 : index
    %get3A_27 = vector.load %arg2[%get3A_25, %get3A_26] : memref<32x8192xf32, #tpu.memory_space<vmem>>, vector<32x8192xf32>
    %jit3A_28 = arith.constant 0.000000e+00 : f32
    %jit3A_29 = arith.constant 0.000000e+00 : f32
    %jit3A_30 = arith.constant 0.000000e+00 : f32
    %ne3A_31 = arith.cmpf one, %get3A_27, %get3A_27 : vector<32x8192xf32>
    %broadcast_in_dim3A_32 = vector.broadcast %jit3A_28 : f32 to vector<32x8192xf32>
    %select_n3A_33 = arith.select %ne3A_31, %broadcast_in_dim3A_32, %get3A_27 : vector<32x8192xi1>, vector<32x8192xf32>
    %eq3A_34 = arith.constant 0x7F800000 : f32
    %eq3A_35 = vector.broadcast %eq3A_34 : f32 to vector<32x8192xf32>
    %eq3A_36 = arith.cmpf oeq, %select_n3A_33, %eq3A_35 : vector<32x8192xf32>
    %broadcast_in_dim3A_37 = vector.broadcast %jit3A_30 : f32 to vector<32x8192xf32>
    %select_n3A_38 = arith.select %eq3A_36, %broadcast_in_dim3A_37, %select_n3A_33 : vector<32x8192xi1>, vector<32x8192xf32>
    %eq3A_39 = arith.constant 0xFF800000 : f32
    %eq3A_40 = vector.broadcast %eq3A_39 : f32 to vector<32x8192xf32>
    %eq3A_41 = arith.cmpf oeq, %select_n3A_38, %eq3A_40 : vector<32x8192xf32>
    %broadcast_in_dim3A_42 = vector.broadcast %jit3A_29 : f32 to vector<32x8192xf32>
    %select_n3A_43 = arith.select %eq3A_41, %broadcast_in_dim3A_42, %select_n3A_38 : vector<32x8192xi1>, vector<32x8192xf32>
    %dot_general3A_44 = arith.constant dense<0.000000e+00> : vector<8192x128xf32>
    %dot_general3A_45 = tpu.matmul %select_n3A_43, %convert_element_type3A_24, %dot_general3A_44 {dimension_numbers = #tpu.dot_dimension_numbers<[0], [0], [1], [1], [0, 1, 1, 1], [], []>, transpose_lhs_hint = false} : vector<32x8192xf32>, vector<32x128xf32>, vector<8192x128xf32> -> vector<8192x128xf32>
    %add3A = arith.addf %dot_general3A_18, %dot_general3A_45 : vector<8192x128xf32>
    %sub3A_46 = arith.constant 64 : i32
    %sub3A_47 = vector.broadcast %sub3A_46 : i32 to vector<32x128xi32>
    %sub3A_48 = arith.subi %iota3A_0, %sub3A_47 : vector<32x128xi32>
    %eq3A_49 = arith.cmpi eq, %iota3A, %sub3A_48 : vector<32x128xi32>
    %convert_element_type3A_50 = arith.extui %eq3A_49 : vector<32x128xi1> to vector<32x128xi32>
    %convert_element_type3A_51 = arith.sitofp %convert_element_type3A_50 : vector<32x128xi32> to vector<32x128xf32>
    %get3A_52 = arith.constant 0 : index
    %get3A_53 = arith.constant 0 : index
    %get3A_54 = vector.load %arg3[%get3A_52, %get3A_53] : memref<32x8192xf32, #tpu.memory_space<vmem>>, vector<32x8192xf32>
    %jit3A_55 = arith.constant 0.000000e+00 : f32
    %jit3A_56 = arith.constant 0.000000e+00 : f32
    %jit3A_57 = arith.constant 0.000000e+00 : f32
    %ne3A_58 = arith.cmpf one, %get3A_54, %get3A_54 : vector<32x8192xf32>
    %broadcast_in_dim3A_59 = vector.broadcast %jit3A_55 : f32 to vector<32x8192xf32>
    %select_n3A_60 = arith.select %ne3A_58, %broadcast_in_dim3A_59, %get3A_54 : vector<32x8192xi1>, vector<32x8192xf32>
    %eq3A_61 = arith.constant 0x7F800000 : f32
    %eq3A_62 = vector.broadcast %eq3A_61 : f32 to vector<32x8192xf32>
    %eq3A_63 = arith.cmpf oeq, %select_n3A_60, %eq3A_62 : vector<32x8192xf32>
    %broadcast_in_dim3A_64 = vector.broadcast %jit3A_57 : f32 to vector<32x8192xf32>
    %select_n3A_65 = arith.select %eq3A_63, %broadcast_in_dim3A_64, %select_n3A_60 : vector<32x8192xi1>, vector<32x8192xf32>
    %eq3A_66 = arith.constant 0xFF800000 : f32
    %eq3A_67 = vector.broadcast %eq3A_66 : f32 to vector<32x8192xf32>
    %eq3A_68 = arith.cmpf oeq, %select_n3A_65, %eq3A_67 : vector<32x8192xf32>
    %broadcast_in_dim3A_69 = vector.broadcast %jit3A_56 : f32 to vector<32x8192xf32>
    %select_n3A_70 = arith.select %eq3A_68, %broadcast_in_dim3A_69, %select_n3A_65 : vector<32x8192xi1>, vector<32x8192xf32>
    %dot_general3A_71 = arith.constant dense<0.000000e+00> : vector<8192x128xf32>
    %dot_general3A_72 = tpu.matmul %select_n3A_70, %convert_element_type3A_51, %dot_general3A_71 {dimension_numbers = #tpu.dot_dimension_numbers<[0], [0], [1], [1], [0, 1, 1, 1], [], []>, transpose_lhs_hint = false} : vector<32x8192xf32>, vector<32x128xf32>, vector<8192x128xf32> -> vector<8192x128xf32>
    %add3A_73 = arith.addf %add3A, %dot_general3A_72 : vector<8192x128xf32>
    %sub3A_74 = arith.constant 96 : i32
    %sub3A_75 = vector.broadcast %sub3A_74 : i32 to vector<32x128xi32>
    %sub3A_76 = arith.subi %iota3A_0, %sub3A_75 : vector<32x128xi32>
    %eq3A_77 = arith.cmpi eq, %iota3A, %sub3A_76 : vector<32x128xi32>
    %convert_element_type3A_78 = arith.extui %eq3A_77 : vector<32x128xi1> to vector<32x128xi32>
    %convert_element_type3A_79 = arith.sitofp %convert_element_type3A_78 : vector<32x128xi32> to vector<32x128xf32>
    %get3A_80 = arith.constant 0 : index
    %get3A_81 = arith.constant 0 : index
    %get3A_82 = vector.load %arg4[%get3A_80, %get3A_81] : memref<32x8192xf32, #tpu.memory_space<vmem>>, vector<32x8192xf32>
    %jit3A_83 = arith.constant 0.000000e+00 : f32
    %jit3A_84 = arith.constant 0.000000e+00 : f32
    %jit3A_85 = arith.constant 0.000000e+00 : f32
    %ne3A_86 = arith.cmpf one, %get3A_82, %get3A_82 : vector<32x8192xf32>
    %broadcast_in_dim3A_87 = vector.broadcast %jit3A_83 : f32 to vector<32x8192xf32>
    %select_n3A_88 = arith.select %ne3A_86, %broadcast_in_dim3A_87, %get3A_82 : vector<32x8192xi1>, vector<32x8192xf32>
    %eq3A_89 = arith.constant 0x7F800000 : f32
    %eq3A_90 = vector.broadcast %eq3A_89 : f32 to vector<32x8192xf32>
    %eq3A_91 = arith.cmpf oeq, %select_n3A_88, %eq3A_90 : vector<32x8192xf32>
    %broadcast_in_dim3A_92 = vector.broadcast %jit3A_85 : f32 to vector<32x8192xf32>
    %select_n3A_93 = arith.select %eq3A_91, %broadcast_in_dim3A_92, %select_n3A_88 : vector<32x8192xi1>, vector<32x8192xf32>
    %eq3A_94 = arith.constant 0xFF800000 : f32
    %eq3A_95 = vector.broadcast %eq3A_94 : f32 to vector<32x8192xf32>
    %eq3A_96 = arith.cmpf oeq, %select_n3A_93, %eq3A_95 : vector<32x8192xf32>
    %broadcast_in_dim3A_97 = vector.broadcast %jit3A_84 : f32 to vector<32x8192xf32>
    %select_n3A_98 = arith.select %eq3A_96, %broadcast_in_dim3A_97, %select_n3A_93 : vector<32x8192xi1>, vector<32x8192xf32>
    %dot_general3A_99 = arith.constant dense<0.000000e+00> : vector<8192x128xf32>
    %dot_general3A_100 = tpu.matmul %select_n3A_98, %convert_element_type3A_79, %dot_general3A_99 {dimension_numbers = #tpu.dot_dimension_numbers<[0], [0], [1], [1], [0, 1, 1, 1], [], []>, transpose_lhs_hint = false} : vector<32x8192xf32>, vector<32x128xf32>, vector<8192x128xf32> -> vector<8192x128xf32>
    %add3A_101 = arith.addf %add3A_73, %dot_general3A_100 : vector<8192x128xf32>
    %iota3A_102 = tpu.iota {dimensions = array<i32: 0>} : vector<32x128xi32>
    %iota3A_103 = tpu.iota {dimensions = array<i32: 1>} : vector<32x128xi32>
    %sub3A_104 = arith.constant 0 : i32
    %sub3A_105 = vector.broadcast %sub3A_104 : i32 to vector<32x128xi32>
    %sub3A_106 = arith.subi %iota3A_103, %sub3A_105 : vector<32x128xi32>
    %eq3A_107 = arith.cmpi eq, %iota3A_102, %sub3A_106 : vector<32x128xi32>
    %convert_element_type3A_108 = arith.extui %eq3A_107 : vector<32x128xi1> to vector<32x128xi32>
    %convert_element_type3A_109 = arith.sitofp %convert_element_type3A_108 : vector<32x128xi32> to vector<32x128xf32>
    %get3A_110 = arith.constant 0 : index
    %get3A_111 = arith.constant 0 : index
    %get3A_112 = vector.load %arg5[%get3A_110, %get3A_111] : memref<32x8192xf32, #tpu.memory_space<vmem>>, vector<32x8192xf32>
    %jit3A_113 = arith.constant 0.000000e+00 : f32
    %jit3A_114 = arith.constant 0.000000e+00 : f32
    %jit3A_115 = arith.constant 0.000000e+00 : f32
    %ne3A_116 = arith.cmpf one, %get3A_112, %get3A_112 : vector<32x8192xf32>
    %broadcast_in_dim3A_117 = vector.broadcast %jit3A_113 : f32 to vector<32x8192xf32>
    %select_n3A_118 = arith.select %ne3A_116, %broadcast_in_dim3A_117, %get3A_112 : vector<32x8192xi1>, vector<32x8192xf32>
    %eq3A_119 = arith.constant 0x7F800000 : f32
    %eq3A_120 = vector.broadcast %eq3A_119 : f32 to vector<32x8192xf32>
    %eq3A_121 = arith.cmpf oeq, %select_n3A_118, %eq3A_120 : vector<32x8192xf32>
    %broadcast_in_dim3A_122 = vector.broadcast %jit3A_115 : f32 to vector<32x8192xf32>
    %select_n3A_123 = arith.select %eq3A_121, %broadcast_in_dim3A_122, %select_n3A_118 : vector<32x8192xi1>, vector<32x8192xf32>
    %eq3A_124 = arith.constant 0xFF800000 : f32
    %eq3A_125 = vector.broadcast %eq3A_124 : f32 to vector<32x8192xf32>
    %eq3A_126 = arith.cmpf oeq, %select_n3A_123, %eq3A_125 : vector<32x8192xf32>
    %broadcast_in_dim3A_127 = vector.broadcast %jit3A_114 : f32 to vector<32x8192xf32>
    %select_n3A_128 = arith.select %eq3A_126, %broadcast_in_dim3A_127, %select_n3A_123 : vector<32x8192xi1>, vector<32x8192xf32>
    %dot_general3A_129 = arith.constant dense<0.000000e+00> : vector<8192x128xf32>
    %dot_general3A_130 = tpu.matmul %select_n3A_128, %convert_element_type3A_109, %dot_general3A_129 {dimension_numbers = #tpu.dot_dimension_numbers<[0], [0], [1], [1], [0, 1, 1, 1], [], []>, transpose_lhs_hint = false} : vector<32x8192xf32>, vector<32x128xf32>, vector<8192x128xf32> -> vector<8192x128xf32>
    %sub3A_131 = arith.constant 32 : i32
    %sub3A_132 = vector.broadcast %sub3A_131 : i32 to vector<32x128xi32>
    %sub3A_133 = arith.subi %iota3A_103, %sub3A_132 : vector<32x128xi32>
    %eq3A_134 = arith.cmpi eq, %iota3A_102, %sub3A_133 : vector<32x128xi32>
    %convert_element_type3A_135 = arith.extui %eq3A_134 : vector<32x128xi1> to vector<32x128xi32>
    %convert_element_type3A_136 = arith.sitofp %convert_element_type3A_135 : vector<32x128xi32> to vector<32x128xf32>
    %get3A_137 = arith.constant 0 : index
    %get3A_138 = arith.constant 0 : index
    %get3A_139 = vector.load %arg6[%get3A_137, %get3A_138] : memref<32x8192xf32, #tpu.memory_space<vmem>>, vector<32x8192xf32>
    %jit3A_140 = arith.constant 0.000000e+00 : f32
    %jit3A_141 = arith.constant 0.000000e+00 : f32
    %jit3A_142 = arith.constant 0.000000e+00 : f32
    %ne3A_143 = arith.cmpf one, %get3A_139, %get3A_139 : vector<32x8192xf32>
    %broadcast_in_dim3A_144 = vector.broadcast %jit3A_140 : f32 to vector<32x8192xf32>
    %select_n3A_145 = arith.select %ne3A_143, %broadcast_in_dim3A_144, %get3A_139 : vector<32x8192xi1>, vector<32x8192xf32>
    %eq3A_146 = arith.constant 0x7F800000 : f32
    %eq3A_147 = vector.broadcast %eq3A_146 : f32 to vector<32x8192xf32>
    %eq3A_148 = arith.cmpf oeq, %select_n3A_145, %eq3A_147 : vector<32x8192xf32>
    %broadcast_in_dim3A_149 = vector.broadcast %jit3A_142 : f32 to vector<32x8192xf32>
    %select_n3A_150 = arith.select %eq3A_148, %broadcast_in_dim3A_149, %select_n3A_145 : vector<32x8192xi1>, vector<32x8192xf32>
    %eq3A_151 = arith.constant 0xFF800000 : f32
    %eq3A_152 = vector.broadcast %eq3A_151 : f32 to vector<32x8192xf32>
    %eq3A_153 = arith.cmpf oeq, %select_n3A_150, %eq3A_152 : vector<32x8192xf32>
    %broadcast_in_dim3A_154 = vector.broadcast %jit3A_141 : f32 to vector<32x8192xf32>
    %select_n3A_155 = arith.select %eq3A_153, %broadcast_in_dim3A_154, %select_n3A_150 : vector<32x8192xi1>, vector<32x8192xf32>
    %dot_general3A_156 = arith.constant dense<0.000000e+00> : vector<8192x128xf32>
    %dot_general3A_157 = tpu.matmul %select_n3A_155, %convert_element_type3A_136, %dot_general3A_156 {dimension_numbers = #tpu.dot_dimension_numbers<[0], [0], [1], [1], [0, 1, 1, 1], [], []>, transpose_lhs_hint = false} : vector<32x8192xf32>, vector<32x128xf32>, vector<8192x128xf32> -> vector<8192x128xf32>
    %add3A_158 = arith.addf %dot_general3A_130, %dot_general3A_157 : vector<8192x128xf32>
    %sub3A_159 = arith.constant 64 : i32
    %sub3A_160 = vector.broadcast %sub3A_159 : i32 to vector<32x128xi32>
    %sub3A_161 = arith.subi %iota3A_103, %sub3A_160 : vector<32x128xi32>
    %eq3A_162 = arith.cmpi eq, %iota3A_102, %sub3A_161 : vector<32x128xi32>
    %convert_element_type3A_163 = arith.extui %eq3A_162 : vector<32x128xi1> to vector<32x128xi32>
    %convert_element_type3A_164 = arith.sitofp %convert_element_type3A_163 : vector<32x128xi32> to vector<32x128xf32>
    %get3A_165 = arith.constant 0 : index
    %get3A_166 = arith.constant 0 : index
    %get3A_167 = vector.load %arg7[%get3A_165, %get3A_166] : memref<32x8192xf32, #tpu.memory_space<vmem>>, vector<32x8192xf32>
    %jit3A_168 = arith.constant 0.000000e+00 : f32
    %jit3A_169 = arith.constant 0.000000e+00 : f32
    %jit3A_170 = arith.constant 0.000000e+00 : f32
    %ne3A_171 = arith.cmpf one, %get3A_167, %get3A_167 : vector<32x8192xf32>
    %broadcast_in_dim3A_172 = vector.broadcast %jit3A_168 : f32 to vector<32x8192xf32>
    %select_n3A_173 = arith.select %ne3A_171, %broadcast_in_dim3A_172, %get3A_167 : vector<32x8192xi1>, vector<32x8192xf32>
    %eq3A_174 = arith.constant 0x7F800000 : f32
    %eq3A_175 = vector.broadcast %eq3A_174 : f32 to vector<32x8192xf32>
    %eq3A_176 = arith.cmpf oeq, %select_n3A_173, %eq3A_175 : vector<32x8192xf32>
    %broadcast_in_dim3A_177 = vector.broadcast %jit3A_170 : f32 to vector<32x8192xf32>
    %select_n3A_178 = arith.select %eq3A_176, %broadcast_in_dim3A_177, %select_n3A_173 : vector<32x8192xi1>, vector<32x8192xf32>
    %eq3A_179 = arith.constant 0xFF800000 : f32
    %eq3A_180 = vector.broadcast %eq3A_179 : f32 to vector<32x8192xf32>
    %eq3A_181 = arith.cmpf oeq, %select_n3A_178, %eq3A_180 : vector<32x8192xf32>
    %broadcast_in_dim3A_182 = vector.broadcast %jit3A_169 : f32 to vector<32x8192xf32>
    %select_n3A_183 = arith.select %eq3A_181, %broadcast_in_dim3A_182, %select_n3A_178 : vector<32x8192xi1>, vector<32x8192xf32>
    %dot_general3A_184 = arith.constant dense<0.000000e+00> : vector<8192x128xf32>
    %dot_general3A_185 = tpu.matmul %select_n3A_183, %convert_element_type3A_164, %dot_general3A_184 {dimension_numbers = #tpu.dot_dimension_numbers<[0], [0], [1], [1], [0, 1, 1, 1], [], []>, transpose_lhs_hint = false} : vector<32x8192xf32>, vector<32x128xf32>, vector<8192x128xf32> -> vector<8192x128xf32>
    %add3A_186 = arith.addf %add3A_158, %dot_general3A_185 : vector<8192x128xf32>
    %sub3A_187 = arith.constant 96 : i32
    %sub3A_188 = vector.broadcast %sub3A_187 : i32 to vector<32x128xi32>
    %sub3A_189 = arith.subi %iota3A_103, %sub3A_188 : vector<32x128xi32>
    %eq3A_190 = arith.cmpi eq, %iota3A_102, %sub3A_189 : vector<32x128xi32>
    %convert_element_type3A_191 = arith.extui %eq3A_190 : vector<32x128xi1> to vector<32x128xi32>
    %convert_element_type3A_192 = arith.sitofp %convert_element_type3A_191 : vector<32x128xi32> to vector<32x128xf32>
    %get3A_193 = arith.constant 0 : index
    %get3A_194 = arith.constant 0 : index
    %get3A_195 = vector.load %arg8[%get3A_193, %get3A_194] : memref<32x8192xf32, #tpu.memory_space<vmem>>, vector<32x8192xf32>
    %jit3A_196 = arith.constant 0.000000e+00 : f32
    %jit3A_197 = arith.constant 0.000000e+00 : f32
    %jit3A_198 = arith.constant 0.000000e+00 : f32
    %ne3A_199 = arith.cmpf one, %get3A_195, %get3A_195 : vector<32x8192xf32>
    %broadcast_in_dim3A_200 = vector.broadcast %jit3A_196 : f32 to vector<32x8192xf32>
    %select_n3A_201 = arith.select %ne3A_199, %broadcast_in_dim3A_200, %get3A_195 : vector<32x8192xi1>, vector<32x8192xf32>
    %eq3A_202 = arith.constant 0x7F800000 : f32
    %eq3A_203 = vector.broadcast %eq3A_202 : f32 to vector<32x8192xf32>
    %eq3A_204 = arith.cmpf oeq, %select_n3A_201, %eq3A_203 : vector<32x8192xf32>
    %broadcast_in_dim3A_205 = vector.broadcast %jit3A_198 : f32 to vector<32x8192xf32>
    %select_n3A_206 = arith.select %eq3A_204, %broadcast_in_dim3A_205, %select_n3A_201 : vector<32x8192xi1>, vector<32x8192xf32>
    %eq3A_207 = arith.constant 0xFF800000 : f32
    %eq3A_208 = vector.broadcast %eq3A_207 : f32 to vector<32x8192xf32>
    %eq3A_209 = arith.cmpf oeq, %select_n3A_206, %eq3A_208 : vector<32x8192xf32>
    %broadcast_in_dim3A_210 = vector.broadcast %jit3A_197 : f32 to vector<32x8192xf32>
    %select_n3A_211 = arith.select %eq3A_209, %broadcast_in_dim3A_210, %select_n3A_206 : vector<32x8192xi1>, vector<32x8192xf32>
    %dot_general3A_212 = arith.constant dense<0.000000e+00> : vector<8192x128xf32>
    %dot_general3A_213 = tpu.matmul %select_n3A_211, %convert_element_type3A_192, %dot_general3A_212 {dimension_numbers = #tpu.dot_dimension_numbers<[0], [0], [1], [1], [0, 1, 1, 1], [], []>, transpose_lhs_hint = false} : vector<32x8192xf32>, vector<32x128xf32>, vector<8192x128xf32> -> vector<8192x128xf32>
    %add3A_214 = arith.addf %add3A_186, %dot_general3A_213 : vector<8192x128xf32>
    %convert_element_type3A_215 = arith.truncf %add3A_101 : vector<8192x128xf32> to vector<8192x128xbf16>
    %bitcast_convert_type3A = tpu.bitcast %convert_element_type3A_215 : vector<8192x128xbf16> -> vector<8192x128xi16>
    %convert_element_type3A_216 = arith.extui %bitcast_convert_type3A : vector<8192x128xi16> to vector<8192x128xi32>
    %shift_left3A = arith.constant 16 : i32
    %shift_left3A_217 = vector.broadcast %shift_left3A : i32 to vector<8192x128xi32>
    %shift_left3A_218 = arith.shli %convert_element_type3A_216, %shift_left3A_217 : vector<8192x128xi32>
    %convert_element_type3A_219 = arith.truncf %add3A_214 : vector<8192x128xf32> to vector<8192x128xbf16>
    %bitcast_convert_type3A_220 = tpu.bitcast %convert_element_type3A_219 : vector<8192x128xbf16> -> vector<8192x128xi16>
    %convert_element_type3A_221 = arith.extui %bitcast_convert_type3A_220 : vector<8192x128xi16> to vector<8192x128xi32>
    %or3A = arith.ori %shift_left3A_218, %convert_element_type3A_221 : vector<8192x128xi32>
    %bitcast_convert_type3A_222 = tpu.bitcast %or3A : vector<8192x128xi32> -> vector<8192x128xf32>
    %swap3A = arith.constant 0 : index
    %swap3A_223 = arith.constant 0 : index
    %swap3A_224 = vector.load %arg9[%swap3A, %swap3A_223] : memref<8192x128xf32, #tpu.memory_space<vmem>>, vector<8192x128xf32>
    tpu.vector_store %arg9[%swap3A, %swap3A_223], %bitcast_convert_type3A_222 {strides = array<i32>} : memref<8192x128xf32, #tpu.memory_space<vmem>>, vector<8192x128xf32>,
    return
  }
  func.func @transform_0(%arg0: i32) -> (i32, i32) {
    %add3A = arith.constant 0 : i32
    %add3A_0 = arith.addi %add3A, %arg0 : i32
    %min3A = arith.constant 122 : i32
    %min3A_1 = arith.minsi %add3A_0, %min3A : i32
    %c0_i32 = arith.constant 0 : i32
    %c0_i32_2 = arith.constant 0 : i32
    return %c0_i32, %min3A_1 : i32, i32
  }
  func.func @transform_1(%arg0: i32) -> (i32, i32) {
    %add3A = arith.constant 31 : i32
    %add3A_0 = arith.addi %add3A, %arg0 : i32
    %min3A = arith.constant 122 : i32
    %min3A_1 = arith.minsi %add3A_0, %min3A : i32
    %c0_i32 = arith.constant 0 : i32
    %c0_i32_2 = arith.constant 0 : i32
    return %c0_i32, %min3A_1 : i32, i32
  }
  func.func @transform_2(%arg0: i32) -> (i32, i32) {
    %add3A = arith.constant 62 : i32
    %add3A_0 = arith.addi %add3A, %arg0 : i32
    %min3A = arith.constant 122 : i32
    %min3A_1 = arith.minsi %add3A_0, %min3A : i32
    %c0_i32 = arith.constant 0 : i32
    %c0_i32_2 = arith.constant 0 : i32
    return %c0_i32, %min3A_1 : i32, i32
  }
  func.func @transform_3(%arg0: i32) -> (i32, i32) {
    %add3A = arith.constant 93 : i32
    %add3A_0 = arith.addi %add3A, %arg0 : i32
    %min3A = arith.constant 122 : i32
    %min3A_1 = arith.minsi %add3A_0, %min3A : i32
    %c0_i32 = arith.constant 0 : i32
    %c0_i32_2 = arith.constant 0 : i32
    return %c0_i32, %min3A_1 : i32, i32
  }
  func.func @transform_4(%arg0: i32) -> (i32, i32) {
    %add3A = arith.constant 0 : i32
    %add3A_0 = arith.addi %add3A, %arg0 : i32
    %min3A = arith.constant 122 : i32
    %min3A_1 = arith.minsi %add3A_0, %min3A : i32
    %c0_i32 = arith.constant 0 : i32
    %c0_i32_2 = arith.constant 0 : i32
    return %c0_i32, %min3A_1 : i32, i32
  }
  func.func @transform_5(%arg0: i32) -> (i32, i32) {
    %add3A = arith.constant 31 : i32
    %add3A_0 = arith.addi %add3A, %arg0 : i32
    %min3A = arith.constant 122 : i32
    %min3A_1 = arith.minsi %add3A_0, %min3A : i32
    %c0_i32 = arith.constant 0 : i32
    %c0_i32_2 = arith.constant 0 : i32
    return %c0_i32, %min3A_1 : i32, i32
  }
  func.func @transform_6(%arg0: i32) -> (i32, i32) {
    %add3A = arith.constant 62 : i32
    %add3A_0 = arith.addi %add3A, %arg0 : i32
    %min3A = arith.constant 122 : i32
    %min3A_1 = arith.minsi %add3A_0, %min3A : i32
    %c0_i32 = arith.constant 0 : i32
    %c0_i32_2 = arith.constant 0 : i32
    return %c0_i32, %min3A_1 : i32, i32
  }
  func.func @transform_7(%arg0: i32) -> (i32, i32) {
    %add3A = arith.constant 93 : i32
    %add3A_0 = arith.addi %add3A, %arg0 : i32
    %min3A = arith.constant 122 : i32
    %min3A_1 = arith.minsi %add3A_0, %min3A : i32
    %c0_i32 = arith.constant 0 : i32
    %c0_i32_2 = arith.constant 0 : i32
    return %c0_i32, %min3A_1 : i32, i32
  }
  func.func @transform_8(%arg0: i32) -> (i32, i32) {
    %c0_i32 = arith.constant 0 : i32
    %c0_i32_0 = arith.constant 0 : i32
    return %arg0, %c0_i32 : i32, i32
  }
}

module attributes {stable_mosaic.version = 14 : i64} {
  func.func @_math_body(%arg0: i32, %arg1: memref<32x2048xf32, #tpu.memory_space<vmem>>, %arg2: memref<32x2048xf32, #tpu.memory_space<vmem>>, %arg3: memref<2048x128xf32, #tpu.memory_space<vmem>>, %arg4: memref<2048x1xi32, #tpu.memory_space<vmem>>, %arg5: memref<1x2048xf32, #tpu.memory_space<vmem>>) attributes {dimension_semantics = [#tpu.dimension_semantics<arbitrary>], iteration_bounds = array<i64: 8>, scalar_prefetch = 0 : i64, scratch_operands = 0 : i64, tpu.core_type = #tpu.core_type<tc>, window_params = [{transform_indices = @transform_0, window_bounds = array<i64: 32, 2048>}, {transform_indices = @transform_1, window_bounds = array<i64: 32, 2048>}, {transform_indices = @transform_2, window_bounds = array<i64: 2048, 128>}, {transform_indices = @transform_3, window_bounds = array<i64: 2048, 1>}, {transform_indices = @transform_4, window_bounds = array<i64: 1, 2048>}]} {
    %get3A = arith.constant 0 : index
    %get3A_0 = arith.constant 0 : index
    %get3A_1 = vector.load %arg4[%get3A, %get3A_0] : memref<2048x1xi32, #tpu.memory_space<vmem>>, vector<2048x1xi32>
    %iota3A = tpu.iota {dimensions = array<i32: 0>} : vector<32x32xi32>
    %iota3A_2 = tpu.iota {dimensions = array<i32: 1>} : vector<32x32xi32>
    %eq3A = arith.cmpi eq, %iota3A, %iota3A_2 : vector<32x32xi32>
    %convert_element_type3A = arith.extui %eq3A : vector<32x32xi1> to vector<32x32xi32>
    %convert_element_type3A_3 = arith.sitofp %convert_element_type3A : vector<32x32xi32> to vector<32x32xf32>
    %get3A_4 = arith.constant 0 : index
    %get3A_5 = arith.constant 0 : index
    %get3A_6 = vector.load %arg3[%get3A_4, %get3A_5] : memref<2048x128xf32, #tpu.memory_space<vmem>>, vector<2048x128xf32>
    %bitcast_convert_type3A = tpu.bitcast %get3A_6 : vector<2048x128xf32> -> vector<2048x128xi32>
    %and3A = arith.constant -65536 : i32
    %and3A_7 = vector.broadcast %and3A : i32 to vector<2048x128xi32>
    %and3A_8 = arith.andi %bitcast_convert_type3A, %and3A_7 : vector<2048x128xi32>
    %bitcast_convert_type3A_9 = tpu.bitcast %and3A_8 : vector<2048x128xi32> -> vector<2048x128xf32>
    %shift_left3A = arith.constant 16 : i32
    %shift_left3A_10 = vector.broadcast %shift_left3A : i32 to vector<2048x128xi32>
    %shift_left3A_11 = arith.shli %bitcast_convert_type3A, %shift_left3A_10 : vector<2048x128xi32>
    %bitcast_convert_type3A_12 = tpu.bitcast %shift_left3A_11 : vector<2048x128xi32> -> vector<2048x128xf32>
    %broadcast_in_dim3A = arith.constant 0.000000e+00 : f32
    %broadcast_in_dim3A_13 = vector.broadcast %broadcast_in_dim3A : f32 to vector<2048x32xf32>
    %eq3A_14 = arith.constant 0 : i32
    %eq3A_15 = vector.broadcast %eq3A_14 : i32 to vector<2048x1xi32>
    %eq3A_16 = arith.cmpi eq, %get3A_1, %eq3A_15 : vector<2048x1xi32>
    %slice3A = vector.extract_strided_slice %bitcast_convert_type3A_9 {offsets = [0, 0], sizes = [2048, 32], strides = [1, 1]} : vector<2048x128xf32> to vector<2048x32xf32>
    %broadcast_in_dim3A_17 = vector.shape_cast %eq3A_16 : vector<2048x1xi1> to vector<2048x1xi1>
    %broadcast_in_dim3A_18 = vector.broadcast %broadcast_in_dim3A_17 : vector<2048x1xi1> to vector<2048x32xi1>
    %select_n3A = arith.select %broadcast_in_dim3A_18, %slice3A, %broadcast_in_dim3A_13 : vector<2048x32xi1>, vector<2048x32xf32>
    %eq3A_19 = arith.constant 1 : i32
    %eq3A_20 = vector.broadcast %eq3A_19 : i32 to vector<2048x1xi32>
    %eq3A_21 = arith.cmpi eq, %get3A_1, %eq3A_20 : vector<2048x1xi32>
    %slice3A_22 = vector.extract_strided_slice %bitcast_convert_type3A_9 {offsets = [0, 32], sizes = [2048, 32], strides = [1, 1]} : vector<2048x128xf32> to vector<2048x32xf32>
    %broadcast_in_dim3A_23 = vector.shape_cast %eq3A_21 : vector<2048x1xi1> to vector<2048x1xi1>
    %broadcast_in_dim3A_24 = vector.broadcast %broadcast_in_dim3A_23 : vector<2048x1xi1> to vector<2048x32xi1>
    %select_n3A_25 = arith.select %broadcast_in_dim3A_24, %slice3A_22, %select_n3A : vector<2048x32xi1>, vector<2048x32xf32>
    %eq3A_26 = arith.constant 2 : i32
    %eq3A_27 = vector.broadcast %eq3A_26 : i32 to vector<2048x1xi32>
    %eq3A_28 = arith.cmpi eq, %get3A_1, %eq3A_27 : vector<2048x1xi32>
    %slice3A_29 = vector.extract_strided_slice %bitcast_convert_type3A_9 {offsets = [0, 64], sizes = [2048, 32], strides = [1, 1]} : vector<2048x128xf32> to vector<2048x32xf32>
    %broadcast_in_dim3A_30 = vector.shape_cast %eq3A_28 : vector<2048x1xi1> to vector<2048x1xi1>
    %broadcast_in_dim3A_31 = vector.broadcast %broadcast_in_dim3A_30 : vector<2048x1xi1> to vector<2048x32xi1>
    %select_n3A_32 = arith.select %broadcast_in_dim3A_31, %slice3A_29, %select_n3A_25 : vector<2048x32xi1>, vector<2048x32xf32>
    %eq3A_33 = arith.constant 3 : i32
    %eq3A_34 = vector.broadcast %eq3A_33 : i32 to vector<2048x1xi32>
    %eq3A_35 = arith.cmpi eq, %get3A_1, %eq3A_34 : vector<2048x1xi32>
    %slice3A_36 = vector.extract_strided_slice %bitcast_convert_type3A_9 {offsets = [0, 96], sizes = [2048, 32], strides = [1, 1]} : vector<2048x128xf32> to vector<2048x32xf32>
    %broadcast_in_dim3A_37 = vector.shape_cast %eq3A_35 : vector<2048x1xi1> to vector<2048x1xi1>
    %broadcast_in_dim3A_38 = vector.broadcast %broadcast_in_dim3A_37 : vector<2048x1xi1> to vector<2048x32xi1>
    %select_n3A_39 = arith.select %broadcast_in_dim3A_38, %slice3A_36, %select_n3A_32 : vector<2048x32xi1>, vector<2048x32xf32>
    %broadcast_in_dim3A_40 = arith.constant 0.000000e+00 : f32
    %broadcast_in_dim3A_41 = vector.broadcast %broadcast_in_dim3A_40 : f32 to vector<2048x32xf32>
    %eq3A_42 = arith.constant 0 : i32
    %eq3A_43 = vector.broadcast %eq3A_42 : i32 to vector<2048x1xi32>
    %eq3A_44 = arith.cmpi eq, %get3A_1, %eq3A_43 : vector<2048x1xi32>
    %slice3A_45 = vector.extract_strided_slice %bitcast_convert_type3A_12 {offsets = [0, 0], sizes = [2048, 32], strides = [1, 1]} : vector<2048x128xf32> to vector<2048x32xf32>
    %broadcast_in_dim3A_46 = vector.shape_cast %eq3A_44 : vector<2048x1xi1> to vector<2048x1xi1>
    %broadcast_in_dim3A_47 = vector.broadcast %broadcast_in_dim3A_46 : vector<2048x1xi1> to vector<2048x32xi1>
    %select_n3A_48 = arith.select %broadcast_in_dim3A_47, %slice3A_45, %broadcast_in_dim3A_41 : vector<2048x32xi1>, vector<2048x32xf32>
    %eq3A_49 = arith.constant 1 : i32
    %eq3A_50 = vector.broadcast %eq3A_49 : i32 to vector<2048x1xi32>
    %eq3A_51 = arith.cmpi eq, %get3A_1, %eq3A_50 : vector<2048x1xi32>
    %slice3A_52 = vector.extract_strided_slice %bitcast_convert_type3A_12 {offsets = [0, 32], sizes = [2048, 32], strides = [1, 1]} : vector<2048x128xf32> to vector<2048x32xf32>
    %broadcast_in_dim3A_53 = vector.shape_cast %eq3A_51 : vector<2048x1xi1> to vector<2048x1xi1>
    %broadcast_in_dim3A_54 = vector.broadcast %broadcast_in_dim3A_53 : vector<2048x1xi1> to vector<2048x32xi1>
    %select_n3A_55 = arith.select %broadcast_in_dim3A_54, %slice3A_52, %select_n3A_48 : vector<2048x32xi1>, vector<2048x32xf32>
    %eq3A_56 = arith.constant 2 : i32
    %eq3A_57 = vector.broadcast %eq3A_56 : i32 to vector<2048x1xi32>
    %eq3A_58 = arith.cmpi eq, %get3A_1, %eq3A_57 : vector<2048x1xi32>
    %slice3A_59 = vector.extract_strided_slice %bitcast_convert_type3A_12 {offsets = [0, 64], sizes = [2048, 32], strides = [1, 1]} : vector<2048x128xf32> to vector<2048x32xf32>
    %broadcast_in_dim3A_60 = vector.shape_cast %eq3A_58 : vector<2048x1xi1> to vector<2048x1xi1>
    %broadcast_in_dim3A_61 = vector.broadcast %broadcast_in_dim3A_60 : vector<2048x1xi1> to vector<2048x32xi1>
    %select_n3A_62 = arith.select %broadcast_in_dim3A_61, %slice3A_59, %select_n3A_55 : vector<2048x32xi1>, vector<2048x32xf32>
    %eq3A_63 = arith.constant 3 : i32
    %eq3A_64 = vector.broadcast %eq3A_63 : i32 to vector<2048x1xi32>
    %eq3A_65 = arith.cmpi eq, %get3A_1, %eq3A_64 : vector<2048x1xi32>
    %slice3A_66 = vector.extract_strided_slice %bitcast_convert_type3A_12 {offsets = [0, 96], sizes = [2048, 32], strides = [1, 1]} : vector<2048x128xf32> to vector<2048x32xf32>
    %broadcast_in_dim3A_67 = vector.shape_cast %eq3A_65 : vector<2048x1xi1> to vector<2048x1xi1>
    %broadcast_in_dim3A_68 = vector.broadcast %broadcast_in_dim3A_67 : vector<2048x1xi1> to vector<2048x32xi1>
    %select_n3A_69 = arith.select %broadcast_in_dim3A_68, %slice3A_66, %select_n3A_62 : vector<2048x32xi1>, vector<2048x32xf32>
    %dot_general3A = arith.constant dense<0.000000e+00> : vector<32x2048xf32>
    %dot_general3A_70 = tpu.matmul %convert_element_type3A_3, %select_n3A_39, %dot_general3A {dimension_numbers = #tpu.dot_dimension_numbers<[0], [1], [1], [0], [0, 1, 1, 0], [], []>, transpose_lhs_hint = false} : vector<32x32xf32>, vector<2048x32xf32>, vector<32x2048xf32> -> vector<32x2048xf32>
    %dot_general3A_71 = arith.constant dense<0.000000e+00> : vector<32x2048xf32>
    %dot_general3A_72 = tpu.matmul %convert_element_type3A_3, %select_n3A_69, %dot_general3A_71 {dimension_numbers = #tpu.dot_dimension_numbers<[0], [1], [1], [0], [0, 1, 1, 0], [], []>, transpose_lhs_hint = false} : vector<32x32xf32>, vector<2048x32xf32>, vector<32x2048xf32> -> vector<32x2048xf32>
    %get3A_73 = arith.constant 0 : index
    %get3A_74 = arith.constant 0 : index
    %get3A_75 = vector.load %arg1[%get3A_73, %get3A_74] : memref<32x2048xf32, #tpu.memory_space<vmem>>, vector<32x2048xf32>
    %mul3A = arith.mulf %get3A_75, %get3A_75 : vector<32x2048xf32>
    %reduce_sum3A = arith.constant dense<0.000000e+00> : vector<2048xf32>
    %reduce_sum3A_76 = vector.multi_reduction <add>, %mul3A, %reduce_sum3A [0] : vector<32x2048xf32> to vector<2048xf32>
    %broadcast_in_dim3A_77 = vector.shape_cast %reduce_sum3A_76 : vector<2048xf32> to vector<1x2048xf32>
    %sqrt3A = math.sqrt %broadcast_in_dim3A_77 : vector<1x2048xf32>
    %ge3A = arith.constant 1.000000e+00 : f32
    %ge3A_78 = vector.broadcast %ge3A : f32 to vector<1x2048xf32>
    %ge3A_79 = arith.cmpf oge, %sqrt3A, %ge3A_78 : vector<1x2048xf32>
    %sub3A = arith.constant 9.99999974E-6 : f32
    %sub3A_80 = vector.broadcast %sub3A : f32 to vector<1x2048xf32>
    %sub3A_81 = arith.subf %sqrt3A, %sub3A_80 : vector<1x2048xf32>
    %div3A = vector.broadcast %sub3A_81 : vector<1x2048xf32> to vector<32x2048xf32>
    %div3A_82 = arith.divf %get3A_75, %div3A : vector<32x2048xf32>
    %broadcast_in_dim3A_83 = vector.shape_cast %ge3A_79 : vector<1x2048xi1> to vector<1x2048xi1>
    %broadcast_in_dim3A_84 = vector.broadcast %broadcast_in_dim3A_83 : vector<1x2048xi1> to vector<32x2048xi1>
    %select_n3A_85 = arith.select %broadcast_in_dim3A_84, %div3A_82, %get3A_75 : vector<32x2048xi1>, vector<32x2048xf32>
    %get3A_86 = arith.constant 0 : index
    %get3A_87 = arith.constant 0 : index
    %get3A_88 = vector.load %arg2[%get3A_86, %get3A_87] : memref<32x2048xf32, #tpu.memory_space<vmem>>, vector<32x2048xf32>
    %mul3A_89 = arith.mulf %get3A_88, %get3A_88 : vector<32x2048xf32>
    %reduce_sum3A_90 = arith.constant dense<0.000000e+00> : vector<2048xf32>
    %reduce_sum3A_91 = vector.multi_reduction <add>, %mul3A_89, %reduce_sum3A_90 [0] : vector<32x2048xf32> to vector<2048xf32>
    %broadcast_in_dim3A_92 = vector.shape_cast %reduce_sum3A_91 : vector<2048xf32> to vector<1x2048xf32>
    %sqrt3A_93 = math.sqrt %broadcast_in_dim3A_92 : vector<1x2048xf32>
    %ge3A_94 = arith.constant 1.000000e+00 : f32
    %ge3A_95 = vector.broadcast %ge3A_94 : f32 to vector<1x2048xf32>
    %ge3A_96 = arith.cmpf oge, %sqrt3A_93, %ge3A_95 : vector<1x2048xf32>
    %sub3A_97 = arith.constant 9.99999974E-6 : f32
    %sub3A_98 = vector.broadcast %sub3A_97 : f32 to vector<1x2048xf32>
    %sub3A_99 = arith.subf %sqrt3A_93, %sub3A_98 : vector<1x2048xf32>
    %div3A_100 = vector.broadcast %sub3A_99 : vector<1x2048xf32> to vector<32x2048xf32>
    %div3A_101 = arith.divf %get3A_88, %div3A_100 : vector<32x2048xf32>
    %broadcast_in_dim3A_102 = vector.shape_cast %ge3A_96 : vector<1x2048xi1> to vector<1x2048xi1>
    %broadcast_in_dim3A_103 = vector.broadcast %broadcast_in_dim3A_102 : vector<1x2048xi1> to vector<32x2048xi1>
    %select_n3A_104 = arith.select %broadcast_in_dim3A_103, %div3A_101, %get3A_88 : vector<32x2048xi1>, vector<32x2048xf32>
    %mul3A_105 = arith.mulf %dot_general3A_72, %dot_general3A_72 : vector<32x2048xf32>
    %reduce_sum3A_106 = arith.constant dense<0.000000e+00> : vector<2048xf32>
    %reduce_sum3A_107 = vector.multi_reduction <add>, %mul3A_105, %reduce_sum3A_106 [0] : vector<32x2048xf32> to vector<2048xf32>
    %broadcast_in_dim3A_108 = vector.shape_cast %reduce_sum3A_107 : vector<2048xf32> to vector<1x2048xf32>
    %sqrt3A_109 = math.sqrt %broadcast_in_dim3A_108 : vector<1x2048xf32>
    %ge3A_110 = arith.constant 1.000000e+00 : f32
    %ge3A_111 = vector.broadcast %ge3A_110 : f32 to vector<1x2048xf32>
    %ge3A_112 = arith.cmpf oge, %sqrt3A_109, %ge3A_111 : vector<1x2048xf32>
    %sub3A_113 = arith.constant 9.99999974E-6 : f32
    %sub3A_114 = vector.broadcast %sub3A_113 : f32 to vector<1x2048xf32>
    %sub3A_115 = arith.subf %sqrt3A_109, %sub3A_114 : vector<1x2048xf32>
    %div3A_116 = vector.broadcast %sub3A_115 : vector<1x2048xf32> to vector<32x2048xf32>
    %div3A_117 = arith.divf %dot_general3A_72, %div3A_116 : vector<32x2048xf32>
    %broadcast_in_dim3A_118 = vector.shape_cast %ge3A_112 : vector<1x2048xi1> to vector<1x2048xi1>
    %broadcast_in_dim3A_119 = vector.broadcast %broadcast_in_dim3A_118 : vector<1x2048xi1> to vector<32x2048xi1>
    %select_n3A_120 = arith.select %broadcast_in_dim3A_119, %div3A_117, %dot_general3A_72 : vector<32x2048xi1>, vector<32x2048xf32>
    %mul3A_121 = arith.mulf %select_n3A_85, %select_n3A_85 : vector<32x2048xf32>
    %reduce_sum3A_122 = arith.constant dense<0.000000e+00> : vector<2048xf32>
    %reduce_sum3A_123 = vector.multi_reduction <add>, %mul3A_121, %reduce_sum3A_122 [0] : vector<32x2048xf32> to vector<2048xf32>
    %broadcast_in_dim3A_124 = vector.shape_cast %reduce_sum3A_123 : vector<2048xf32> to vector<1x2048xf32>
    %sqrt3A_125 = math.sqrt %broadcast_in_dim3A_124 : vector<1x2048xf32>
    %jit3A = arith.constant 1.000000e-10 : f32
    %jit3A_126 = arith.constant 0.999989986 : f32
    %max3A = vector.broadcast %jit3A : f32 to vector<1x2048xf32>
    %max3A_127 = arith.maximumf %max3A, %sqrt3A_125 : vector<1x2048xf32>
    %min3A = vector.broadcast %jit3A_126 : f32 to vector<1x2048xf32>
    %min3A_128 = arith.minimumf %min3A, %max3A_127 : vector<1x2048xf32>
    %add3A = arith.constant 1.000000e+00 : f32
    %add3A_129 = vector.broadcast %add3A : f32 to vector<1x2048xf32>
    %add3A_130 = arith.addf %add3A_129, %min3A_128 : vector<1x2048xf32>
    %sub3A_131 = arith.constant 1.000000e+00 : f32
    %sub3A_132 = vector.broadcast %sub3A_131 : f32 to vector<1x2048xf32>
    %sub3A_133 = arith.subf %sub3A_132, %min3A_128 : vector<1x2048xf32>
    %div3A_134 = arith.divf %add3A_130, %sub3A_133 : vector<1x2048xf32>
    %log3A = math.log %div3A_134 : vector<1x2048xf32>
    %mul3A_135 = arith.constant 5.000000e-01 : f32
    %mul3A_136 = vector.broadcast %mul3A_135 : f32 to vector<1x2048xf32>
    %mul3A_137 = arith.mulf %mul3A_136, %log3A : vector<1x2048xf32>
    %div3A_138 = arith.divf %mul3A_137, %min3A_128 : vector<1x2048xf32>
    %mul3A_139 = vector.broadcast %div3A_138 : vector<1x2048xf32> to vector<32x2048xf32>
    %mul3A_140 = arith.mulf %mul3A_139, %select_n3A_85 : vector<32x2048xf32>
    %mul3A_141 = arith.mulf %mul3A_140, %dot_general3A_70 : vector<32x2048xf32>
    %mul3A_142 = arith.mulf %mul3A_141, %mul3A_141 : vector<32x2048xf32>
    %reduce_sum3A_143 = arith.constant dense<0.000000e+00> : vector<2048xf32>
    %reduce_sum3A_144 = vector.multi_reduction <add>, %mul3A_142, %reduce_sum3A_143 [0] : vector<32x2048xf32> to vector<2048xf32>
    %broadcast_in_dim3A_145 = vector.shape_cast %reduce_sum3A_144 : vector<2048xf32> to vector<1x2048xf32>
    %sqrt3A_146 = math.sqrt %broadcast_in_dim3A_145 : vector<1x2048xf32>
    %max3A_147 = arith.constant 1.000000e-10 : f32
    %max3A_148 = vector.broadcast %max3A_147 : f32 to vector<1x2048xf32>
    %max3A_149 = arith.maximumf %sqrt3A_146, %max3A_148 : vector<1x2048xf32>
    %tanh3A = math.tanh %max3A_149 : vector<1x2048xf32>
    %div3A_150 = arith.divf %tanh3A, %max3A_149 : vector<1x2048xf32>
    %mul3A_151 = vector.broadcast %div3A_150 : vector<1x2048xf32> to vector<32x2048xf32>
    %mul3A_152 = arith.mulf %mul3A_151, %mul3A_141 : vector<32x2048xf32>
    %mul3A_153 = arith.mulf %select_n3A_104, %select_n3A_104 : vector<32x2048xf32>
    %reduce_sum3A_154 = arith.constant dense<0.000000e+00> : vector<2048xf32>
    %reduce_sum3A_155 = vector.multi_reduction <add>, %mul3A_153, %reduce_sum3A_154 [0] : vector<32x2048xf32> to vector<2048xf32>
    %broadcast_in_dim3A_156 = vector.shape_cast %reduce_sum3A_155 : vector<2048xf32> to vector<1x2048xf32>
    %mul3A_157 = arith.mulf %select_n3A_120, %select_n3A_120 : vector<32x2048xf32>
    %reduce_sum3A_158 = arith.constant dense<0.000000e+00> : vector<2048xf32>
    %reduce_sum3A_159 = vector.multi_reduction <add>, %mul3A_157, %reduce_sum3A_158 [0] : vector<32x2048xf32> to vector<2048xf32>
    %broadcast_in_dim3A_160 = vector.shape_cast %reduce_sum3A_159 : vector<2048xf32> to vector<1x2048xf32>
    %mul3A_161 = arith.mulf %select_n3A_104, %select_n3A_120 : vector<32x2048xf32>
    %reduce_sum3A_162 = arith.constant dense<0.000000e+00> : vector<2048xf32>
    %reduce_sum3A_163 = vector.multi_reduction <add>, %mul3A_161, %reduce_sum3A_162 [0] : vector<32x2048xf32> to vector<2048xf32>
    %broadcast_in_dim3A_164 = vector.shape_cast %reduce_sum3A_163 : vector<2048xf32> to vector<1x2048xf32>
    %mul3A_165 = arith.constant 2.000000e+00 : f32
    %mul3A_166 = vector.broadcast %mul3A_165 : f32 to vector<1x2048xf32>
    %mul3A_167 = arith.mulf %mul3A_166, %broadcast_in_dim3A_164 : vector<1x2048xf32>
    %add3A_168 = arith.constant 1.000000e+00 : f32
    %add3A_169 = vector.broadcast %add3A_168 : f32 to vector<1x2048xf32>
    %add3A_170 = arith.addf %add3A_169, %mul3A_167 : vector<1x2048xf32>
    %add3A_171 = arith.addf %add3A_170, %broadcast_in_dim3A_160 : vector<1x2048xf32>
    %mul3A_172 = vector.broadcast %add3A_171 : vector<1x2048xf32> to vector<32x2048xf32>
    %mul3A_173 = arith.mulf %mul3A_172, %select_n3A_104 : vector<32x2048xf32>
    %sub3A_174 = arith.constant 1.000000e+00 : f32
    %sub3A_175 = vector.broadcast %sub3A_174 : f32 to vector<1x2048xf32>
    %sub3A_176 = arith.subf %sub3A_175, %broadcast_in_dim3A_156 : vector<1x2048xf32>
    %mul3A_177 = vector.broadcast %sub3A_176 : vector<1x2048xf32> to vector<32x2048xf32>
    %mul3A_178 = arith.mulf %mul3A_177, %select_n3A_120 : vector<32x2048xf32>
    %add3A_179 = arith.addf %mul3A_173, %mul3A_178 : vector<32x2048xf32>
    %mul3A_180 = arith.constant 2.000000e+00 : f32
    %mul3A_181 = vector.broadcast %mul3A_180 : f32 to vector<1x2048xf32>
    %mul3A_182 = arith.mulf %mul3A_181, %broadcast_in_dim3A_164 : vector<1x2048xf32>
    %add3A_183 = arith.constant 1.000000e+00 : f32
    %add3A_184 = vector.broadcast %add3A_183 : f32 to vector<1x2048xf32>
    %add3A_185 = arith.addf %add3A_184, %mul3A_182 : vector<1x2048xf32>
    %mul3A_186 = arith.mulf %broadcast_in_dim3A_156, %broadcast_in_dim3A_160 : vector<1x2048xf32>
    %add3A_187 = arith.addf %add3A_185, %mul3A_186 : vector<1x2048xf32>
    %div3A_188 = vector.broadcast %add3A_187 : vector<1x2048xf32> to vector<32x2048xf32>
    %div3A_189 = arith.divf %add3A_179, %div3A_188 : vector<32x2048xf32>
    %mul3A_190 = arith.mulf %mul3A_152, %mul3A_152 : vector<32x2048xf32>
    %reduce_sum3A_191 = arith.constant dense<0.000000e+00> : vector<2048xf32>
    %reduce_sum3A_192 = vector.multi_reduction <add>, %mul3A_190, %reduce_sum3A_191 [0] : vector<32x2048xf32> to vector<2048xf32>
    %broadcast_in_dim3A_193 = vector.shape_cast %reduce_sum3A_192 : vector<2048xf32> to vector<1x2048xf32>
    %sqrt3A_194 = math.sqrt %broadcast_in_dim3A_193 : vector<1x2048xf32>
    %ge3A_195 = arith.constant 1.000000e+00 : f32
    %ge3A_196 = vector.broadcast %ge3A_195 : f32 to vector<1x2048xf32>
    %ge3A_197 = arith.cmpf oge, %sqrt3A_194, %ge3A_196 : vector<1x2048xf32>
    %sub3A_198 = arith.constant 9.99999974E-6 : f32
    %sub3A_199 = vector.broadcast %sub3A_198 : f32 to vector<1x2048xf32>
    %sub3A_200 = arith.subf %sqrt3A_194, %sub3A_199 : vector<1x2048xf32>
    %div3A_201 = vector.broadcast %sub3A_200 : vector<1x2048xf32> to vector<32x2048xf32>
    %div3A_202 = arith.divf %mul3A_152, %div3A_201 : vector<32x2048xf32>
    %broadcast_in_dim3A_203 = vector.shape_cast %ge3A_197 : vector<1x2048xi1> to vector<1x2048xi1>
    %broadcast_in_dim3A_204 = vector.broadcast %broadcast_in_dim3A_203 : vector<1x2048xi1> to vector<32x2048xi1>
    %select_n3A_205 = arith.select %broadcast_in_dim3A_204, %div3A_202, %mul3A_152 : vector<32x2048xi1>, vector<32x2048xf32>
    %mul3A_206 = arith.mulf %div3A_189, %div3A_189 : vector<32x2048xf32>
    %reduce_sum3A_207 = arith.constant dense<0.000000e+00> : vector<2048xf32>
    %reduce_sum3A_208 = vector.multi_reduction <add>, %mul3A_206, %reduce_sum3A_207 [0] : vector<32x2048xf32> to vector<2048xf32>
    %broadcast_in_dim3A_209 = vector.shape_cast %reduce_sum3A_208 : vector<2048xf32> to vector<1x2048xf32>
    %sqrt3A_210 = math.sqrt %broadcast_in_dim3A_209 : vector<1x2048xf32>
    %ge3A_211 = arith.constant 1.000000e+00 : f32
    %ge3A_212 = vector.broadcast %ge3A_211 : f32 to vector<1x2048xf32>
    %ge3A_213 = arith.cmpf oge, %sqrt3A_210, %ge3A_212 : vector<1x2048xf32>
    %sub3A_214 = arith.constant 9.99999974E-6 : f32
    %sub3A_215 = vector.broadcast %sub3A_214 : f32 to vector<1x2048xf32>
    %sub3A_216 = arith.subf %sqrt3A_210, %sub3A_215 : vector<1x2048xf32>
    %div3A_217 = vector.broadcast %sub3A_216 : vector<1x2048xf32> to vector<32x2048xf32>
    %div3A_218 = arith.divf %div3A_189, %div3A_217 : vector<32x2048xf32>
    %broadcast_in_dim3A_219 = vector.shape_cast %ge3A_213 : vector<1x2048xi1> to vector<1x2048xi1>
    %broadcast_in_dim3A_220 = vector.broadcast %broadcast_in_dim3A_219 : vector<1x2048xi1> to vector<32x2048xi1>
    %select_n3A_221 = arith.select %broadcast_in_dim3A_220, %div3A_218, %div3A_189 : vector<32x2048xi1>, vector<32x2048xf32>
    %neg3A = arith.constant 0.000000e+00 : f32
    %neg3A_222 = vector.broadcast %neg3A : f32 to vector<32x2048xf32>
    %neg3A_223 = arith.subf %neg3A_222, %select_n3A_205 : vector<32x2048xf32>
    %mul3A_224 = arith.mulf %neg3A_223, %neg3A_223 : vector<32x2048xf32>
    %reduce_sum3A_225 = arith.constant dense<0.000000e+00> : vector<2048xf32>
    %reduce_sum3A_226 = vector.multi_reduction <add>, %mul3A_224, %reduce_sum3A_225 [0] : vector<32x2048xf32> to vector<2048xf32>
    %broadcast_in_dim3A_227 = vector.shape_cast %reduce_sum3A_226 : vector<2048xf32> to vector<1x2048xf32>
    %mul3A_228 = arith.mulf %select_n3A_221, %select_n3A_221 : vector<32x2048xf32>
    %reduce_sum3A_229 = arith.constant dense<0.000000e+00> : vector<2048xf32>
    %reduce_sum3A_230 = vector.multi_reduction <add>, %mul3A_228, %reduce_sum3A_229 [0] : vector<32x2048xf32> to vector<2048xf32>
    %broadcast_in_dim3A_231 = vector.shape_cast %reduce_sum3A_230 : vector<2048xf32> to vector<1x2048xf32>
    %mul3A_232 = arith.mulf %neg3A_223, %select_n3A_221 : vector<32x2048xf32>
    %reduce_sum3A_233 = arith.constant dense<0.000000e+00> : vector<2048xf32>
    %reduce_sum3A_234 = vector.multi_reduction <add>, %mul3A_232, %reduce_sum3A_233 [0] : vector<32x2048xf32> to vector<2048xf32>
    %broadcast_in_dim3A_235 = vector.shape_cast %reduce_sum3A_234 : vector<2048xf32> to vector<1x2048xf32>
    %mul3A_236 = arith.constant 2.000000e+00 : f32
    %mul3A_237 = vector.broadcast %mul3A_236 : f32 to vector<1x2048xf32>
    %mul3A_238 = arith.mulf %mul3A_237, %broadcast_in_dim3A_235 : vector<1x2048xf32>
    %add3A_239 = arith.constant 1.000000e+00 : f32
    %add3A_240 = vector.broadcast %add3A_239 : f32 to vector<1x2048xf32>
    %add3A_241 = arith.addf %add3A_240, %mul3A_238 : vector<1x2048xf32>
    %add3A_242 = arith.addf %add3A_241, %broadcast_in_dim3A_231 : vector<1x2048xf32>
    %mul3A_243 = vector.broadcast %add3A_242 : vector<1x2048xf32> to vector<32x2048xf32>
    %mul3A_244 = arith.mulf %mul3A_243, %neg3A_223 : vector<32x2048xf32>
    %sub3A_245 = arith.constant 1.000000e+00 : f32
    %sub3A_246 = vector.broadcast %sub3A_245 : f32 to vector<1x2048xf32>
    %sub3A_247 = arith.subf %sub3A_246, %broadcast_in_dim3A_227 : vector<1x2048xf32>
    %mul3A_248 = vector.broadcast %sub3A_247 : vector<1x2048xf32> to vector<32x2048xf32>
    %mul3A_249 = arith.mulf %mul3A_248, %select_n3A_221 : vector<32x2048xf32>
    %add3A_250 = arith.addf %mul3A_244, %mul3A_249 : vector<32x2048xf32>
    %mul3A_251 = arith.constant 2.000000e+00 : f32
    %mul3A_252 = vector.broadcast %mul3A_251 : f32 to vector<1x2048xf32>
    %mul3A_253 = arith.mulf %mul3A_252, %broadcast_in_dim3A_235 : vector<1x2048xf32>
    %add3A_254 = arith.constant 1.000000e+00 : f32
    %add3A_255 = vector.broadcast %add3A_254 : f32 to vector<1x2048xf32>
    %add3A_256 = arith.addf %add3A_255, %mul3A_253 : vector<1x2048xf32>
    %mul3A_257 = arith.mulf %broadcast_in_dim3A_227, %broadcast_in_dim3A_231 : vector<1x2048xf32>
    %add3A_258 = arith.addf %add3A_256, %mul3A_257 : vector<1x2048xf32>
    %div3A_259 = vector.broadcast %add3A_258 : vector<1x2048xf32> to vector<32x2048xf32>
    %div3A_260 = arith.divf %add3A_250, %div3A_259 : vector<32x2048xf32>
    %mul3A_261 = arith.mulf %div3A_260, %div3A_260 : vector<32x2048xf32>
    %reduce_sum3A_262 = arith.constant dense<0.000000e+00> : vector<2048xf32>
    %reduce_sum3A_263 = vector.multi_reduction <add>, %mul3A_261, %reduce_sum3A_262 [0] : vector<32x2048xf32> to vector<2048xf32>
    %broadcast_in_dim3A_264 = vector.shape_cast %reduce_sum3A_263 : vector<2048xf32> to vector<1x2048xf32>
    %sqrt3A_265 = math.sqrt %broadcast_in_dim3A_264 : vector<1x2048xf32>
    %jit3A_266 = arith.constant 1.000000e-10 : f32
    %jit3A_267 = arith.constant 0.999989986 : f32
    %max3A_268 = vector.broadcast %jit3A_266 : f32 to vector<1x2048xf32>
    %max3A_269 = arith.maximumf %max3A_268, %sqrt3A_265 : vector<1x2048xf32>
    %min3A_270 = vector.broadcast %jit3A_267 : f32 to vector<1x2048xf32>
    %min3A_271 = arith.minimumf %min3A_270, %max3A_269 : vector<1x2048xf32>
    %add3A_272 = arith.constant 1.000000e+00 : f32
    %add3A_273 = vector.broadcast %add3A_272 : f32 to vector<1x2048xf32>
    %add3A_274 = arith.addf %add3A_273, %min3A_271 : vector<1x2048xf32>
    %sub3A_275 = arith.constant 1.000000e+00 : f32
    %sub3A_276 = vector.broadcast %sub3A_275 : f32 to vector<1x2048xf32>
    %sub3A_277 = arith.subf %sub3A_276, %min3A_271 : vector<1x2048xf32>
    %div3A_278 = arith.divf %add3A_274, %sub3A_277 : vector<1x2048xf32>
    %log3A_279 = math.log %div3A_278 : vector<1x2048xf32>
    %mul3A_280 = arith.constant 5.000000e-01 : f32
    %mul3A_281 = vector.broadcast %mul3A_280 : f32 to vector<1x2048xf32>
    %mul3A_282 = arith.mulf %mul3A_281, %log3A_279 : vector<1x2048xf32>
    %mul3A_283 = arith.constant 2.000000e+00 : f32
    %mul3A_284 = vector.broadcast %mul3A_283 : f32 to vector<1x2048xf32>
    %mul3A_285 = arith.mulf %mul3A_284, %mul3A_282 : vector<1x2048xf32>
    %integer_pow3A = arith.mulf %mul3A_285, %mul3A_285 : vector<1x2048xf32>
    %neg3A_286 = arith.constant 0.000000e+00 : f32
    %neg3A_287 = vector.broadcast %neg3A_286 : f32 to vector<1x2048xf32>
    %neg3A_288 = arith.subf %neg3A_287, %integer_pow3A : vector<1x2048xf32>
    %swap3A = arith.constant 0 : index
    %swap3A_289 = arith.constant 0 : index
    %swap3A_290 = vector.load %arg5[%swap3A, %swap3A_289] : memref<1x2048xf32, #tpu.memory_space<vmem>>, vector<1x2048xf32>
    tpu.vector_store %arg5[%swap3A, %swap3A_289], %neg3A_288 {strides = array<i32>} : memref<1x2048xf32, #tpu.memory_space<vmem>>, vector<1x2048xf32>,
    return
  }
  func.func @transform_0(%arg0: i32) -> (i32, i32) {
    %c0_i32 = arith.constant 0 : i32
    %c0_i32_0 = arith.constant 0 : i32
    return %c0_i32, %arg0 : i32, i32
  }
  func.func @transform_1(%arg0: i32) -> (i32, i32) {
    %c0_i32 = arith.constant 0 : i32
    %c0_i32_0 = arith.constant 0 : i32
    return %c0_i32, %arg0 : i32, i32
  }
  func.func @transform_2(%arg0: i32) -> (i32, i32) {
    %c0_i32 = arith.constant 0 : i32
    %c0_i32_0 = arith.constant 0 : i32
    return %arg0, %c0_i32 : i32, i32
  }
  func.func @transform_3(%arg0: i32) -> (i32, i32) {
    %c0_i32 = arith.constant 0 : i32
    %c0_i32_0 = arith.constant 0 : i32
    return %arg0, %c0_i32 : i32, i32
  }
  func.func @transform_4(%arg0: i32) -> (i32, i32) {
    %c0_i32 = arith.constant 0 : i32
    %c0_i32_0 = arith.constant 0 : i32
    return %c0_i32, %arg0 : i32, i32
  }
}

</mosaic_0001>

<sc_bundles>
// kernel: kernel.5.cloned.1.call-start
scs
__scs_entry_jumppad:
0x0: {  	(pc) =	sbr.rel $0x88, $3  }
0x1: {  	(tag) =	ssettag $0x0;
	lr =	simm.s32 $0x1  }
0x2: {  	[smem:$0x3F9C] =	sst lr;
	_ =	strace $0xD0000000  }
0x3: {  	_ = 	snop  }
0x4: {  	_ = 	snop  }
0x5: {  	_ = 	snop  }
0x6: {  	_ = 	snop  }
0x7: {  	_ = 	snop  }
__scs_overlays_trampoline_lowered:
0x8: {  	[smem:$0x3FAB] =	sst s0  }
0x9: {  	[smem:$0x3FAC] =	sst s1  }
0xa: {  	[smem:$0x3FAD] =	sst s2  }
0xb: {  	[smem:$0x3FAE] =	sst s3  }
0xc: {  	[smem:$0x3FAF] =	sst s4  }
0xd: {  	[smem:$0x3FB0] =	sst s5  }
0xe: {  	[smem:$0x3FB1] =	sst s6  }
0xf: {  	[smem:$0x3FB2] =	sst s7  }
0x10: {  	[smem:$0x3FB3] =	sst s8  }
0x11: {  	[smem:$0x3FB4] =	sst s9;
	s0 =	simm.s32 @!p0 $0x0  }
0x12: {  	s1 =	sld [smem:$0x3F9A];
	s0 =	simm.s32 @p0 $0x1  }
0x13: {  	[smem:$0x3FB5] =	sst s0;
	s0 =	simm.s32 @!p1 $0x0  }
0x14: {  	s2 =	sld [smem:$0x3F99];
	s0 =	simm.s32 @p1 $0x1  }
0x15: {  	[smem:$0x3FB6] =	sst s0;
	s0 =	simm.s32 @!p2 $0x0  }
0x16: {  	s3 =	sld [smem:$0x3FDB];
	s0 =	simm.s32 @p2 $0x1  }
0x17: {  	s4 =	simm.s32 $0x1BF5;
	[smem:$0x3FB8] =	sst s0  }
0x18: {  	s0 =	sld [smem:$0x3F9B];
	_ =	swait.ge [sflag:s4], $0x0  }
0x19: {  	s7 =	sld [smem:$0x3F9C]  }
0x1a: {  	s8 =	sadd.s32 $0xFFFFE003, lr  }
0x1b: {  	s9 =	sadd.s32 $0xFFFFFEF7, lr;
	s5 =	simm.s32 $0xFFFFFFFF;
	p2 =	slt.u32 s8, $0xFFFFF086  }
0x1c: {  	p1 =	slt.u32 s9, $0xF7A;
	s5 =	simm.s32 @!p2 $0x0  }
0x1d: {  	s5 =	simm.s32 @p1 $0x1;
	p0 =	seq.s32 s7, s2  }
0x1e: {  	s7 =	smul.u32 @!p0 $0xF7A, s2;
	p2 =	seq.s32 @!p0 s5, $0x0  }
0x1f: {  	s9 =	smul.u32 $0xF7A, s1;
	s8 =	simm.s32 @!p0 $0x1BF5;
	p2 =	por !p2, p0  }
0x20: {  	[sflag:s8] =	ssyncset.s32 @!p0 $0xFFFFF086;
	s6 =	sadd.s32 @!p0 s3, s7;
	s7 =	simm.s32 @!p0 $0x108  }
0x21: {  	s3 =	sadd.s32 s3, s9;
	s6 =	sadd.s32 @!p0 $0x88, s6;
	s7 =	simm.s32 @p2 $0x1082  }
0x22: {  	[simem:s7], [sflag:s8] =	dma.local @!p0 [hbm:s6], $0xF7A  }
0x23: {  	s9 =	sor.u32 $0xD0000000, s2;
	s6 =	simm.s32 $0x108;
	_ =	swait.ge @!p0 [sflag:s8], $0x0  }
0x24: {  	s3 =	sadd.s32 $0x88, s3;
	s6 =	simm.s32 @!p1 $0x1082;
	[sflag:s4] =	ssyncset.s32 $0xFFFFF086  }
0x25: {  	[simem:s6], [sflag:s4] =	dma.local [hbm:s3], $0xF7A  }
0x26: {  	[smem:$0x3F9C] =	sst s1;
	(tag) =	ssettag s2;
	_ =	strace s9  }
0x27: {  	s1 =	sld [smem:$0x3FAC]  }
0x28: {  	s2 =	sld [smem:$0x3FAD]  }
0x29: {  	s4 =	sld [smem:$0x3FAF]  }
0x2a: {  	p0 =	seq.s32 s5, $0x0;
	s5 =	sld [smem:$0x3FB0]  }
0x2b: {  	s6 =	sld [smem:$0x3FB1]  }
0x2c: {  	s7 =	sld [smem:$0x3FB2]  }
0x2d: {  	s3 =	simm.s32 $0x108;
	s8 =	sld [smem:$0x3FB3]  }
0x2e: {  	s3 =	simm.s32 @!p0 $0x1082;
	s9 =	sld [smem:$0x3FB4]  }
0x2f: {  	lr =	sadd.s32 s0, s3;
	s0 =	sld [smem:$0x3FAB]  }
0x30: {  	s3 =	sld [smem:$0x3FAE]  }
0x31: {  	[smem:$0x3FB7] =	sst s10  }
0x32: {  	s10 =	sld [smem:$0x3FB5];
	_ =	sdelay $0x3  }
0x33: {  	p0 =	seq.s32 s10, $0x1;
	s10 =	sld [smem:$0x3FB7];
	_ =	sdelay $0x3  }
0x34: {  	[smem:$0x3FB7] =	sst s10  }
0x35: {  	s10 =	sld [smem:$0x3FB6];
	_ =	sdelay $0x3  }
0x36: {  	p1 =	seq.s32 s10, $0x1;
	s10 =	sld [smem:$0x3FB7];
	_ =	sdelay $0x3  }
0x37: {  	[smem:$0x3FB7] =	sst s10  }
0x38: {  	s10 =	sld [smem:$0x3FB8]  }
0x39: {  	_ = 	snop;
	(pc) =	sbr.ind lr, $3  }
0x3a: {  	_ = 	snop  }
0x3b: {  	_ = 	snop  }
0x3c: {  	p2 =	seq.s32 s10, $0x1;
	s10 =	sld [smem:$0x3FB7]  }
0x3d: {  	_ =	shalt  }
0x3e: {  	_ =	shalt  }
0x3f: {  	_ =	shalt  }
0x40: {  	_ =	shalt  }
0x41: {  	_ =	shalt  }
0x42: {  	_ =	shalt  }
0x43: {  	_ =	shalt  }
0x44: {  	_ =	shalt  }
0x45: {  	_ =	shalt  }
0x46: {  	_ =	shalt  }
0x47: {  	_ =	shalt  }
0x48: {  	_ =	shalt  }
0x49: {  	_ =	shalt  }
0x4a: {  	_ =	shalt  }
0x4b: {  	_ =	shalt  }
0x4c: {  	_ =	shalt  }
0x4d: {  	_ =	shalt  }
0x4e: {  	_ =	shalt  }
0x4f: {  	_ =	shalt  }
0x50: {  	_ =	shalt  }
0x51: {  	_ =	shalt  }
0x52: {  	_ =	shalt  }
0x53: {  	_ =	shalt  }
0x54: {  	_ =	shalt  }
0x55: {  	_ =	shalt  }
0x56: {  	_ =	shalt  }
0x57: {  	_ =	shalt  }
0x58: {  	_ =	shalt  }
0x59: {  	_ =	shalt  }
0x5a: {  	_ =	shalt  }
0x5b: {  	_ =	shalt  }
0x5c: {  	_ =	shalt  }
0x5d: {  	_ =	shalt  }
0x5e: {  	_ =	shalt  }
0x5f: {  	_ =	shalt  }
0x60: {  	_ =	shalt  }
0x61: {  	_ =	shalt  }
0x62: {  	_ =	shalt  }
0x63: {  	_ =	shalt  }
0x64: {  	_ =	shalt  }
0x65: {  	_ =	shalt  }
0x66: {  	_ =	shalt  }
0x67: {  	_ =	shalt  }
0x68: {  	_ =	shalt  }
0x69: {  	_ =	shalt  }
0x6a: {  	_ =	shalt  }
0x6b: {  	_ =	shalt  }
0x6c: {  	_ =	shalt  }
0x6d: {  	_ =	shalt  }
0x6e: {  	_ =	shalt  }
0x6f: {  	_ =	shalt  }
0x70: {  	_ =	shalt  }
0x71: {  	_ =	shalt  }
0x72: {  	_ =	shalt  }
0x73: {  	_ =	shalt  }
0x74: {  	_ =	shalt  }
0x75: {  	_ =	shalt  }
0x76: {  	_ =	shalt  }
0x77: {  	_ =	shalt  }
0x78: {  	_ =	shalt  }
0x79: {  	_ =	shalt  }
0x7a: {  	_ =	shalt  }
0x7b: {  	_ =	shalt  }
0x7c: {  	_ =	shalt  }
0x7d: {  	_ =	shalt  }
0x7e: {  	_ =	shalt  }
0x7f: {  	_ =	shalt  }
0x80: {  	_ =	shalt  }
0x81: {  	_ =	shalt  }
0x82: {  	_ =	shalt  }
0x83: {  	_ =	shalt  }
0x84: {  	_ =	shalt  }
0x85: {  	_ =	shalt  }
0x86: {  	_ =	shalt  }
0x87: {  	_ =	shalt  }
.Lfunc_end0:
.L_simem_size_0:
called_computation_lowered:
.L_overlay_start_0:
0x88: {  	s2 =	sld [smem:$0x3FD9]  }
0x89: {  	s3 =	sld [smem:$0x3FFE];
	_ =	sdelay $0x1  }
0x8a: {  	s1 =	srdreg.scid  }
0x8b: {  	s0 =	sand.u32 $0x1, s1  }
0x8c: {  	s16 =	sshll.u32 s0, $0xA;
	s2 =	sadd.s32 s3, s2  }
0x8d: {  	s2 =	sadd.s32 s2, s16  }
0x8e: {  	[smem:$0x3FC3] =	sst s2  }
0x8f: {  	_ = 	snop  }
0x90: {  	(tm) =	ssettm $0x1  }
0x91: {  	s17 =	sld [smem:$0x3FFB];
	_ =	sdelay $0x3  }
0x92: {  	_ =	strace s17  }
0x93: {  	s2 =	sld [smem:$0x3FFC];
	_ =	sdelay $0x3  }
0x94: {  	_ =	strace s2  }
0x95: {  	s2 =	sld [smem:$0x3FFD];
	_ =	sdelay $0x3  }
0x96: {  	_ =	strace s2  }
0x97: {  	_ =	strace $0x8FFFFFFF  }
0x98: {  	s18 =	sld [smem:$0x3FDB];
	_ =	sdelay $0x1  }
0x99: {  	s19 =	simm.s32 $_scs_section_size  }
0x9a: {  	s4 =	simm.s32 $_size__tile_overlayer_lowered;
	s5 =	simm.s32 $_tile_overlayer_lowered  }
0x9b: {  	s22 =	simm.s32 $0x1BFF;
	s21 =	sshll.u32 s5, $0x1;
	s2 =	sadd.s32 s19, s18  }
0x9c: {  	s6 =	simm.s32 $0x0;
	s20 =	sshll.u32 s4, $0x1;
	s4 =	sadd.s32 s21, s2  }
0x9d: {  	[timem:s6], [sflag:s22] =	dma.local [hbm:s4], s20  }
0x9e: {  	_ =	swait.ge [sflag:s22], s20  }
0x9f: {  	s3 =	ssub.s32 $0x0, s20;
	[sflag:s22] =	ssyncset.done $0x0  }
0xa0: {  	[sflag:s22] =	ssyncadd.s32 s3;
	_ =	sdelay $0x1  }
0xa1: {  	s23 =	simm.s32 $0x1B8B  }
0xa2: {  	_ =	swait.ge [sflag:s23], $0x1  }
0xa3: {  	[sflag:s23] =	ssyncset.done $0x0  }
0xa4: {  	s25 =	simm.s32 $0x1B8E;
	s24 =	sld [smem:$0x3FFE];
	[sflag:s23] =	ssyncadd.s32 $0xFFFFFFFF  }
0xa5: {  	s26 =	simm.s32 $execute0_lowered;
	[smem:$0x3FD2] =	sst s25  }
0xa6: {  	s4 =	sshll.u32 s26, $0x1;
	_ =	strace $0x80000046;
	[dreg:$0x1] =	wrdreg $0xFFFFFFFF  }
0xa7: {  	s28 =	simm.s32 $_size_execute0_lowered;
	s2 =	sadd.s32 s2, s4;
	[dreg:$0x0] =	wrdreg $0x0  }
0xa8: {  	s4 =	sshll.u32 s28, $0x1;
	[dreg:$0x2] =	wrdreg s2  }
0xa9: {  	[dreg:$0x3] =	wrdreg s4  }
0xaa: {  	[dreg:$0x4] =	wrdreg $0xC0  }
0xab: {  	_ =	task [dreg:s6], $0x5FFFF  }
0xac: {  	[dreg:$0x1] =	wrdreg $0xFFFFFFFF  }
0xad: {  	[dreg:$0x0] =	wrdreg $0x60  }
0xae: {  	[dreg:$0x2] =	wrdreg s24  }
0xaf: {  	[dreg:$0x3] =	wrdreg $0x9  }
0xb0: {  	_ =	task.clear_ibuf [dreg:s6], $0x4FFFF;
	_ =	strace $0x90000046  }
0xb1: {  	s29 =	simm.s32 $0x9;
	_ =	strace $0x80000048  }
0xb2: {  	_ =	swait.ge [sflag:s29], $0x1  }
0xb3: {  	[sflag:s29] =	ssyncadd.s32 $0xFFFFFFFF  }
0xb4: {  	_ =	strace $0x90000048  }
0xb5: {  	_ =	sfence  }
0xb6: {  	s30 =	sld [smem:$0x0];
	_ =	sdelay $0x2  }
0xb7: {  	s31 =	sshll.u32 s1, $0xD;
	s1 =	sshrl.u32 s1, $0x2  }
0xb8: {  	s3 =	sand.u32 $0x4000, s31;
	s1 =	sadd.s32 s1, s30  }
0xb9: {  	s0 =	sor.u32 s3, s0;
	s1 =	sshll.u32 s1, $0x11  }
0xba: {  	s0 =	sor.u32 s1, s0  }
0xbb: {  	s0 =	sadd.s32 $0x8F2B, s0  }
0xbc: {  	[sflag:s0] =	ssyncadd.remote.s32 $0x1  }
0xbd: {  	_ =	sfence.sel $0xFFFF  }
0xbe: {  	[dreg:$0x0] =	wrdreg $0xFFFFFFFF;
	(pc) =	sbr.abs _section_cstart, $3  }
0xbf: {  	[dreg:$0x1] =	wrdreg $0xFFFFFFFF  }
0xc0: {  	_ =	task.clear_ibuf [dreg:s6], $0x2FFFF;
	_ =	strace $0x9FFFFFFF  }
0xc1: {  	(tm) =	ssettm $0x7FFFFFFF  }
tec
execute0_lowered:
.L_overlay_start_1:
0x0: {  	(tag) =	ssettag $0x1  }
0x1: {  	s0 =	srdreg.scid  }
0x2: {  	s14 =	rddreg [dreg:$0x0];
	s15 =	sand.u32 $0x1, s0  }
0x3: {  	s1 =	stileid.u32;
	s2 =	simm.s32 $0x0;
	s3 =	sshll.u32 s15, $0x6  }
0x4: {  	s0 =	rddreg [dreg:$0x1];
	s4 =	sshll.u32 s1, $0x7;
	s3 =	sadd.s32 s3, s14  }
0x5: {  	[smem:$0x7FF] =	sst s2;
	s3 =	sadd.s32 s4, s3  }
0x6: {  	_ =	strace $0x80000047;
	s4 =	sadd.s32 $0xE00, s3;
	s3 =	simm.s32 $0x2  }
0x7: {  	[tilespmem:s2], [sflag:$0x2] =	stream.linear.gather [hbm4b:s4+s2], $0x200, $0x38;
	[tilespmem:$0x10200] =	vst v63  }
0x8: {  	_ =	swait.ge [sflag:s3], $0x200  }
0x9: {  	s6 =	simm.s32 $0x80;
	[sflag:s3] =	ssyncset.done $0x0  }
0xa: {  	s7 =	simm.s32 $0x200;
	s5 =	sadd.s32 $0x1600, s14;
	[sflag:s3] =	ssyncadd.s32 $0xFFFFFE00  }
0xb: {  	[tilespmem:s7], [sflag:$0x1] =	stream.indirect.gather [hbm4b:s5+s6], $0x80, s2, s6, $0xb8;
	[tilespmem:$0x10200] =	vst v63  }
0xc: {  	s8 =	simm.s32 $0x4200  }
0xd: {  	[tilespmem:s8], [sflag:$0x1] =	stream.indirect.gather [hbm4b:s5+s6], $0x80, s6, s6, $0xb8;
	[tilespmem:$0x10200] =	vst v63  }
0xe: {  	s9 =	simm.s32 $0x100;
	s10 =	simm.s32 $0x8200  }
0xf: {  	[tilespmem:s10], [sflag:$0x1] =	stream.indirect.gather [hbm4b:s5+s6], $0x80, s9, s6, $0xb8;
	[tilespmem:$0x10200] =	vst v63  }
0x10: {  	s11 =	simm.s32 $0x180;
	s12 =	simm.s32 $0xC200;
	s13 =	simm.s32 $0x1  }
0x11: {  	[tilespmem:s12], [sflag:$0x1] =	stream.indirect.gather [hbm4b:s5+s6], $0x80, s11, s6, $0xb8;
	[tilespmem:$0x10200] =	vst v63  }
0x12: {  	_ =	swait.ge [sflag:s13], $0x4000  }
0x13: {  	[sflag:s13] =	ssyncset.done $0x0  }
0x14: {  	[sflag:s13] =	ssyncadd.s32 $0xFFFFC000  }
0x15: {  	_ =	swait.ge [sflag:s13], $0x4000  }
0x16: {  	[sflag:s13] =	ssyncset.done $0x0  }
0x17: {  	s16 =	sshll.u32 s15, $0xD;
	s15 =	ssub.s32 $0x2, s15;
	[sflag:s13] =	ssyncadd.s32 $0xFFFFC000  }
0x18: {  	s31 =	sshrl.u32 s15, $0x1;
	_ =	swait.ge [sflag:s13], $0x4000  }
0x19: {  	s15 =	ssub.s32 s15, s31;
	[sflag:s13] =	ssyncset.done $0x0  }
0x1a: {  	s17 =	sshll.u32 s1, $0xE;
	s15 =	smax.u32 s15, $0x1;
	[sflag:s13] =	ssyncadd.s32 $0xFFFFC000  }
0x1b: {  	s14 =	sadd.s32 s16, s14;
	p0 =	sne.s32 s15, $0x1;
	_ =	swait.ge [sflag:s13], $0x4000  }
.Ltmp0:
0x1c: {  	s14 =	sadd.s32 s17, s14;
	[sflag:s13] =	ssyncset.done $0x0;
	(pc) =	sbr.rel @!p0 .LBB2_2-.Ltmp0, $4  }
0x1d: {  	s14 =	sadd.s32 $0x3E1600, s14;
	[sflag:s13] =	ssyncadd.s32 $0xFFFFC000  }
0x1e: {  	[hbm4b:s14+s2] =	stream.linear.scatter [tilespmem:s7], [sflag:$0x2], $0x10000, $0x38;
	[tilespmem:$0x10200] =	vst v63  }
0x1f: {  	_ =	swait.ge [sflag:s3], $0x10000  }
0x20: {  	s15 =	sadd.s32 $0xFFFFFFFF, s15;
	[sflag:s3] =	ssyncset.done $0x0  }
.LBB2_1:
0x21: {  	p0 =	sne.s32 s15, $0x1;
	s15 =	sadd.s32 $0xFFFFFFFF, s15;
	[sflag:s3] =	ssyncadd.s32 $0xFFFF0000  }
0x22: {  	[tilespmem:s2], [sflag:$0x2] =	stream.linear.gather [hbm4b:s4+s2], $0x200, $0x38;
	[tilespmem:$0x10200] =	vst v63  }
0x23: {  	_ =	swait.ge [sflag:s3], $0x200  }
0x24: {  	[sflag:s3] =	ssyncset.done $0x0  }
0x25: {  	[sflag:s3] =	ssyncadd.s32 $0xFFFFFE00  }
0x26: {  	[tilespmem:s7], [sflag:$0x1] =	stream.indirect.gather [hbm4b:s5+s6], $0x80, s2, s6, $0xb8;
	[tilespmem:$0x10200] =	vst v63  }
0x27: {  	_ = 	snop  }
0x28: {  	[tilespmem:s8], [sflag:$0x1] =	stream.indirect.gather [hbm4b:s5+s6], $0x80, s6, s6, $0xb8;
	[tilespmem:$0x10200] =	vst v63  }
0x29: {  	_ = 	snop  }
0x2a: {  	[tilespmem:s10], [sflag:$0x1] =	stream.indirect.gather [hbm4b:s5+s6], $0x80, s9, s6, $0xb8;
	[tilespmem:$0x10200] =	vst v63  }
0x2b: {  	_ = 	snop  }
0x2c: {  	[tilespmem:s12], [sflag:$0x1] =	stream.indirect.gather [hbm4b:s5+s6], $0x80, s11, s6, $0xb8;
	[tilespmem:$0x10200] =	vst v63  }
0x2d: {  	_ =	swait.ge [sflag:s13], $0x4000  }
0x2e: {  	[sflag:s13] =	ssyncset.done $0x0  }
0x2f: {  	[sflag:s13] =	ssyncadd.s32 $0xFFFFC000  }
0x30: {  	_ =	swait.ge [sflag:s13], $0x4000  }
0x31: {  	[sflag:s13] =	ssyncset.done $0x0  }
0x32: {  	[sflag:s13] =	ssyncadd.s32 $0xFFFFC000  }
0x33: {  	_ =	swait.ge [sflag:s13], $0x4000  }
0x34: {  	[sflag:s13] =	ssyncset.done $0x0  }
0x35: {  	[sflag:s13] =	ssyncadd.s32 $0xFFFFC000  }
0x36: {  	_ =	swait.ge [sflag:s13], $0x4000  }
.Ltmp1:
0x37: {  	[sflag:s13] =	ssyncset.done $0x0;
	(pc) =	sbr.rel @p0 .LBB2_1-.Ltmp1, $4  }
0x38: {  	[sflag:s13] =	ssyncadd.s32 $0xFFFFC000  }
0x39: {  	[hbm4b:s14+s2] =	stream.linear.scatter [tilespmem:s7], [sflag:$0x2], $0x10000, $0x38;
	[tilespmem:$0x10200] =	vst v63  }
0x3a: {  	_ =	swait.ge [sflag:s3], $0x10000  }
0x3b: {  	[sflag:s3] =	ssyncset.done $0x0  }
.LBB2_2:
0x3c: {  	[sflag:s3] =	ssyncadd.s32 $0xFFFF0000  }
0x3d: {  	_ =	sfence.sel $0x180000  }
0x3e: {  	[bflag:$0x0] =	sbarrier.arrive $0xFFFF  }
0x3f: {  	p0 =	sne.s32 s1, $0x0;
	_ =	strace $0x90000047  }
0x40: {  	s0 =	sadd.s32 @!p0 $0x100000, s0;
	[bflag:$0x2] =	sbarrier.arrive $0xFFFF  }
0x41: {  	[sflag:s0] =	ssyncadd.tile.s32 @!p0 $0x1;
	_ =	shalt  }
.Lfunc_end2:
_tile_overlayer_lowered:
.L_overlay_start_2:
0x42: {  	(tag) =	ssettag $0x2  }
0x43: {  	s0 =	rddreg [dreg:$0x0];
	s2 =	stileid.u32  }
0x44: {  	s1 =	rddreg [dreg:$0x1];
	p0 =	sne.s32 s2, $0x0  }
0x45: {  	s3 =	rddreg [dreg:$0x2];
	[bflag:$0x3] =	sbarrier.arrive $0xFFFF;
	s2 =	simm.s32 @!p0 $0x1C02  }
0x46: {  	[timem:s3], [sflag:s2] =	dma.local @!p0 [hbm:s0], s1  }
0x47: {  	s0 =	simm.s32 @!p0 $0x2  }
0x48: {  	_ =	swait.ge @!p0 [sflag:s0], s1  }
0x49: {  	s1 =	ssub.s32 @!p0 $0x0, s1;
	[sflag:s0] =	ssyncset.done @!p0 $0x0  }
0x4a: {  	[sflag:s0] =	ssyncadd.s32 @!p0 s1  }
0x4b: {  	[bflag:$0x3] =	sbarrier.arrive $0xFFFF  }
0x4c: {  	_ =	shalt  }

</sc_bundles>
